<compile_context>
chip_gen: v7x
topology: tpu7x:2x2x1
jax: 0.10.2.dev20260603
libtpu: 0.0.44.dev20260713+nightly
codegen_flags: <defaults>
</compile_context>

<pallas_src>
import functools

import jax
import jax.numpy as jnp
from jax import lax
from jax.experimental import pallas as pl
from jax.experimental.pallas import tpu as pltpu
from jax.experimental.pallas import tpu_sc as plsc

_ATTR = 8
_EDIM = 256
_PROP_IDX = (0, 1, 1, 1, 2, 2, 2, 3)
_LANES = 16
_NC = 2
_NS = 16
_REP = 64


@functools.lru_cache(maxsize=None)
def _build_sc_kernel(total_rows: int):
    nw = _NC * _NS
    rows_per_w = total_rows // nw
    assert rows_per_w % _REP == 0 and _REP % _ATTR == 0
    n_dma = rows_per_w // _REP

    mesh = plsc.VectorSubcoreMesh(
        core_axis_name="c", subcore_axis_name="s",
        num_cores=_NC, num_subcores=_NS,
    )

    @functools.partial(
        pl.kernel,
        out_type=jax.ShapeDtypeStruct((total_rows, _EDIM), jnp.float32),
        mesh=mesh,
        compiler_params=pltpu.CompilerParams(
            disable_bounds_checks=True,
            disable_semaphore_checks=True,
            skip_device_barrier=True,
        ),
        scratch_types=[
            pltpu.VMEM((_ATTR, _EDIM), jnp.float32),
            pltpu.VMEM((4, _EDIM), jnp.float32),
            pltpu.VMEM((_REP, _EDIM), jnp.float32),
            pltpu.SemaphoreType.DMA,
            pltpu.SemaphoreType.DMA,
        ],
    )
    def sc_kernel(e_rel_hbm, e_prop_hbm, out_hbm, rel_v, prop_v, rep_v, sem, lsem):
        cp_rel = pltpu.async_copy(e_rel_hbm, rel_v, lsem)
        cp_prop = pltpu.async_copy(e_prop_hbm, prop_v, lsem)
        cp_rel.wait()
        cp_prop.wait()

        def compute_chunk(c, _):
            sl = pl.ds(c * _LANES, _LANES)
            for a in range(_ATTR):
                rep_v[a, sl] = rel_v[a, sl] + prop_v[_PROP_IDX[a], sl]
            return _

        lax.fori_loop(0, _EDIM // _LANES, compute_chunk, None, unroll=False)

        wid = lax.axis_index("s") * _NC + lax.axis_index("c")
        base = wid * rows_per_w

        def rep_chunk(c, _):
            sl = pl.ds(c * _LANES, _LANES)
            rows = [rep_v[a, sl] for a in range(_ATTR)]
            for r in range(_ATTR, _REP):
                rep_v[r, sl] = rows[r % _ATTR]
            return _

        lax.fori_loop(0, _EDIM // _LANES, rep_chunk, None, unroll=False)

        copies = [
            pltpu.async_copy(
                rep_v, out_hbm.at[pl.ds(base + d * _REP, _REP)], sem
            )
            for d in range(n_dma)
        ]
        for cp in copies:
            cp.wait()

    return sc_kernel


def kernel(x, E_relative_position, E_property_relative_position):
    b, s, e = x.shape
    out = _build_sc_kernel(b * s)(E_relative_position, E_property_relative_position)
    return out.reshape(b, s, e)

# --- scband reference (transcript-rebuilt; emitter-appended) ---
"""Pipeline reference for scband-relative-position-encoding-23880018165948 (READ-ONLY COPY).

The authoritative reference and input builder live on the scoring server;
editing this copy changes nothing except your own understanding.
"""

import jax, jax.numpy as jnp
import numpy as np

ATTRIBUTES_NUM = 8
E_DIMS = 256
OBJECT_MAX_NUM = 512
BATCH = 4
SEQ = ATTRIBUTES_NUM * OBJECT_MAX_NUM  # 4096


def setup_inputs(seed: int = 0) -> dict:
    key = jax.random.key(seed)
    k1, k2, k3 = jax.random.split(key, 3)
    x = jax.random.normal(k1, (BATCH, SEQ, E_DIMS), dtype=jnp.float32)
    E_relative_position = jax.random.normal(k2, (ATTRIBUTES_NUM, E_DIMS), dtype=jnp.float32)
    E_property_relative_position = jax.random.normal(k3, (4, E_DIMS), dtype=jnp.float32)
    return {
        "x": x,
        "E_relative_position": E_relative_position,
        "E_property_relative_position": E_property_relative_position,
    }


def reference(x, E_relative_position, E_property_relative_position):
    batch_size = x.shape[0]
    seq_length = x.shape[1]
    relative_index = jnp.tile(jnp.arange(ATTRIBUTES_NUM, dtype=jnp.int32), OBJECT_MAX_NUM)
    property_relative_index = jnp.tile(
        jnp.array([0, 1, 1, 1, 2, 2, 2, 3], dtype=jnp.int32), OBJECT_MAX_NUM
    )
    out = jnp.take(E_relative_position, relative_index, axis=0)  # [seq, E]
    out = jnp.broadcast_to(out, (batch_size, seq_length, E_DIMS))
    property_out = jnp.take(E_property_relative_position, property_relative_index, axis=0)  # [seq, E]
    property_out = jnp.broadcast_to(property_out, (batch_size, seq_length, E_DIMS))
    return out + property_out

if __name__ == "__main__":
    import jax
    _d = setup_inputs()
    print(jax.jit(kernel)(*tuple(_d.values())))

</pallas_src>

<mosaic_0001>
#map = affine_map<(d0, d1) -> (0, 0)>
module attributes {stable_mosaic.version = 14 : i64} {
  func.func @sc_kernel(%arg0: i32, %arg1: i32, %arg2: memref<8x256xf32, #tpu.memory_space<hbm>>, %arg3: memref<4x256xf32, #tpu.memory_space<hbm>>, %arg4: memref<16384x256xf32, #tpu.memory_space<hbm>>, %arg5: memref<8x256xf32, #tpu.memory_space<vmem>>, %arg6: memref<4x256xf32, #tpu.memory_space<vmem>>, %arg7: memref<64x256xf32, #tpu.memory_space<vmem>>, %arg8: memref<!tpu.dma_semaphore, #tpu.memory_space<semaphore_mem>>, %arg9: memref<!tpu.dma_semaphore, #tpu.memory_space<semaphore_mem>>) attributes {dimension_semantics = [#tpu.dimension_semantics<core_parallel>, #tpu.dimension_semantics<subcore_parallel>], iteration_bounds = array<i64: 2, 16>, scalar_prefetch = 0 : i64, scratch_operands = 5 : i64, tpu.core_type = #tpu.core_type<sc_vector_subcore>, window_params = [{transform_indices = #map}, {transform_indices = #map}, {transform_indices = #map}]} {
    tpu.enqueue_dma source(%arg2 : memref<8x256xf32, #tpu.memory_space<hbm>>) target(%arg5 : memref<8x256xf32, #tpu.memory_space<vmem>>) target_semaphore(%arg9 : memref<!tpu.dma_semaphore, #tpu.memory_space<semaphore_mem>>)
    tpu.enqueue_dma source(%arg3 : memref<4x256xf32, #tpu.memory_space<hbm>>) target(%arg6 : memref<4x256xf32, #tpu.memory_space<vmem>>) target_semaphore(%arg9 : memref<!tpu.dma_semaphore, #tpu.memory_space<semaphore_mem>>)
    tpu.wait_dma2 semaphore(%arg9 : memref<!tpu.dma_semaphore, #tpu.memory_space<semaphore_mem>>) src(%arg2 : memref<8x256xf32, #tpu.memory_space<hbm>>) dst(%arg5 : memref<8x256xf32, #tpu.memory_space<vmem>>)
    tpu.wait_dma2 semaphore(%arg9 : memref<!tpu.dma_semaphore, #tpu.memory_space<semaphore_mem>>) src(%arg3 : memref<4x256xf32, #tpu.memory_space<hbm>>) dst(%arg6 : memref<4x256xf32, #tpu.memory_space<vmem>>)
    %scan3A = arith.constant 0 : i32
    %scan3A_0 = arith.constant 16 : i32
    %scan3A_1 = arith.addi %scan3A, %scan3A_0 : i32
    %scan3A_2 = arith.constant 1 : i32
    scf.for %scan3A_90 = %scan3A to %scan3A_1 step %scan3A_2  : i32 {
      %mul3A_91 = arith.constant 16 : i32
      %mul3A_92 = arith.muli %scan3A_90, %mul3A_91 : i32
      %get3A = arith.constant 0 : i32
      %get3A_93 = arith.index_cast %get3A : i32 to index
      %get3A_94 = arith.index_cast %mul3A_92 : i32 to index
      %get3A_95 = tpu.vector_load %arg5[%get3A_93, %get3A_94] {strides = array<i32>} : memref<8x256xf32, #tpu.memory_space<vmem>>, vector<1x16xf32>,
      %get3A_96 = vector.shape_cast %get3A_95 : vector<1x16xf32> to vector<16xf32>
      %get3A_97 = arith.constant 0 : i32
      %get3A_98 = arith.index_cast %get3A_97 : i32 to index
      %get3A_99 = arith.index_cast %mul3A_92 : i32 to index
      %get3A_100 = tpu.vector_load %arg6[%get3A_98, %get3A_99] {strides = array<i32>} : memref<4x256xf32, #tpu.memory_space<vmem>>, vector<1x16xf32>,
      %get3A_101 = vector.shape_cast %get3A_100 : vector<1x16xf32> to vector<16xf32>
      %add3A_102 = arith.addf %get3A_96, %get3A_101 : vector<16xf32>
      %swap3A = arith.constant 0 : i32
      %swap3A_103 = arith.index_cast %swap3A : i32 to index
      %swap3A_104 = arith.index_cast %mul3A_92 : i32 to index
      %swap3A_105 = tpu.vector_load %arg7[%swap3A_103, %swap3A_104] {strides = array<i32>} : memref<64x256xf32, #tpu.memory_space<vmem>>, vector<1x16xf32>,
      %swap3A_106 = vector.shape_cast %swap3A_105 : vector<1x16xf32> to vector<16xf32>
      %swap3A_107 = vector.shape_cast %add3A_102 : vector<16xf32> to vector<1x16xf32>
      tpu.vector_store %arg7[%swap3A_103, %swap3A_104], %swap3A_107 {strides = array<i32>} : memref<64x256xf32, #tpu.memory_space<vmem>>, vector<1x16xf32>,
      %get3A_108 = arith.constant 1 : i32
      %get3A_109 = arith.index_cast %get3A_108 : i32 to index
      %get3A_110 = arith.index_cast %mul3A_92 : i32 to index
      %get3A_111 = tpu.vector_load %arg5[%get3A_109, %get3A_110] {strides = array<i32>} : memref<8x256xf32, #tpu.memory_space<vmem>>, vector<1x16xf32>,
      %get3A_112 = vector.shape_cast %get3A_111 : vector<1x16xf32> to vector<16xf32>
      %get3A_113 = arith.constant 1 : i32
      %get3A_114 = arith.index_cast %get3A_113 : i32 to index
      %get3A_115 = arith.index_cast %mul3A_92 : i32 to index
      %get3A_116 = tpu.vector_load %arg6[%get3A_114, %get3A_115] {strides = array<i32>} : memref<4x256xf32, #tpu.memory_space<vmem>>, vector<1x16xf32>,
      %get3A_117 = vector.shape_cast %get3A_116 : vector<1x16xf32> to vector<16xf32>
      %add3A_118 = arith.addf %get3A_112, %get3A_117 : vector<16xf32>
      %swap3A_119 = arith.constant 1 : i32
      %swap3A_120 = arith.index_cast %swap3A_119 : i32 to index
      %swap3A_121 = arith.index_cast %mul3A_92 : i32 to index
      %swap3A_122 = tpu.vector_load %arg7[%swap3A_120, %swap3A_121] {strides = array<i32>} : memref<64x256xf32, #tpu.memory_space<vmem>>, vector<1x16xf32>,
      %swap3A_123 = vector.shape_cast %swap3A_122 : vector<1x16xf32> to vector<16xf32>
      %swap3A_124 = vector.shape_cast %add3A_118 : vector<16xf32> to vector<1x16xf32>
      tpu.vector_store %arg7[%swap3A_120, %swap3A_121], %swap3A_124 {strides = array<i32>} : memref<64x256xf32, #tpu.memory_space<vmem>>, vector<1x16xf32>,
      %get3A_125 = arith.constant 2 : i32
      %get3A_126 = arith.index_cast %get3A_125 : i32 to index
      %get3A_127 = arith.index_cast %mul3A_92 : i32 to index
      %get3A_128 = tpu.vector_load %arg5[%get3A_126, %get3A_127] {strides = array<i32>} : memref<8x256xf32, #tpu.memory_space<vmem>>, vector<1x16xf32>,
      %get3A_129 = vector.shape_cast %get3A_128 : vector<1x16xf32> to vector<16xf32>
      %get3A_130 = arith.constant 1 : i32
      %get3A_131 = arith.index_cast %get3A_130 : i32 to index
      %get3A_132 = arith.index_cast %mul3A_92 : i32 to index
      %get3A_133 = tpu.vector_load %arg6[%get3A_131, %get3A_132] {strides = array<i32>} : memref<4x256xf32, #tpu.memory_space<vmem>>, vector<1x16xf32>,
      %get3A_134 = vector.shape_cast %get3A_133 : vector<1x16xf32> to vector<16xf32>
      %add3A_135 = arith.addf %get3A_129, %get3A_134 : vector<16xf32>
      %swap3A_136 = arith.constant 2 : i32
      %swap3A_137 = arith.index_cast %swap3A_136 : i32 to index
      %swap3A_138 = arith.index_cast %mul3A_92 : i32 to index
      %swap3A_139 = tpu.vector_load %arg7[%swap3A_137, %swap3A_138] {strides = array<i32>} : memref<64x256xf32, #tpu.memory_space<vmem>>, vector<1x16xf32>,
      %swap3A_140 = vector.shape_cast %swap3A_139 : vector<1x16xf32> to vector<16xf32>
      %swap3A_141 = vector.shape_cast %add3A_135 : vector<16xf32> to vector<1x16xf32>
      tpu.vector_store %arg7[%swap3A_137, %swap3A_138], %swap3A_141 {strides = array<i32>} : memref<64x256xf32, #tpu.memory_space<vmem>>, vector<1x16xf32>,
      %get3A_142 = arith.constant 3 : i32
      %get3A_143 = arith.index_cast %get3A_142 : i32 to index
      %get3A_144 = arith.index_cast %mul3A_92 : i32 to index
      %get3A_145 = tpu.vector_load %arg5[%get3A_143, %get3A_144] {strides = array<i32>} : memref<8x256xf32, #tpu.memory_space<vmem>>, vector<1x16xf32>,
      %get3A_146 = vector.shape_cast %get3A_145 : vector<1x16xf32> to vector<16xf32>
      %get3A_147 = arith.constant 1 : i32
      %get3A_148 = arith.index_cast %get3A_147 : i32 to index
      %get3A_149 = arith.index_cast %mul3A_92 : i32 to index
      %get3A_150 = tpu.vector_load %arg6[%get3A_148, %get3A_149] {strides = array<i32>} : memref<4x256xf32, #tpu.memory_space<vmem>>, vector<1x16xf32>,
      %get3A_151 = vector.shape_cast %get3A_150 : vector<1x16xf32> to vector<16xf32>
      %add3A_152 = arith.addf %get3A_146, %get3A_151 : vector<16xf32>
      %swap3A_153 = arith.constant 3 : i32
      %swap3A_154 = arith.index_cast %swap3A_153 : i32 to index
      %swap3A_155 = arith.index_cast %mul3A_92 : i32 to index
      %swap3A_156 = tpu.vector_load %arg7[%swap3A_154, %swap3A_155] {strides = array<i32>} : memref<64x256xf32, #tpu.memory_space<vmem>>, vector<1x16xf32>,
      %swap3A_157 = vector.shape_cast %swap3A_156 : vector<1x16xf32> to vector<16xf32>
      %swap3A_158 = vector.shape_cast %add3A_152 : vector<16xf32> to vector<1x16xf32>
      tpu.vector_store %arg7[%swap3A_154, %swap3A_155], %swap3A_158 {strides = array<i32>} : memref<64x256xf32, #tpu.memory_space<vmem>>, vector<1x16xf32>,
      %get3A_159 = arith.constant 4 : i32
      %get3A_160 = arith.index_cast %get3A_159 : i32 to index
      %get3A_161 = arith.index_cast %mul3A_92 : i32 to index
      %get3A_162 = tpu.vector_load %arg5[%get3A_160, %get3A_161] {strides = array<i32>} : memref<8x256xf32, #tpu.memory_space<vmem>>, vector<1x16xf32>,
      %get3A_163 = vector.shape_cast %get3A_162 : vector<1x16xf32> to vector<16xf32>
      %get3A_164 = arith.constant 2 : i32
      %get3A_165 = arith.index_cast %get3A_164 : i32 to index
      %get3A_166 = arith.index_cast %mul3A_92 : i32 to index
      %get3A_167 = tpu.vector_load %arg6[%get3A_165, %get3A_166] {strides = array<i32>} : memref<4x256xf32, #tpu.memory_space<vmem>>, vector<1x16xf32>,
      %get3A_168 = vector.shape_cast %get3A_167 : vector<1x16xf32> to vector<16xf32>
      %add3A_169 = arith.addf %get3A_163, %get3A_168 : vector<16xf32>
      %swap3A_170 = arith.constant 4 : i32
      %swap3A_171 = arith.index_cast %swap3A_170 : i32 to index
      %swap3A_172 = arith.index_cast %mul3A_92 : i32 to index
      %swap3A_173 = tpu.vector_load %arg7[%swap3A_171, %swap3A_172] {strides = array<i32>} : memref<64x256xf32, #tpu.memory_space<vmem>>, vector<1x16xf32>,
      %swap3A_174 = vector.shape_cast %swap3A_173 : vector<1x16xf32> to vector<16xf32>
      %swap3A_175 = vector.shape_cast %add3A_169 : vector<16xf32> to vector<1x16xf32>
      tpu.vector_store %arg7[%swap3A_171, %swap3A_172], %swap3A_175 {strides = array<i32>} : memref<64x256xf32, #tpu.memory_space<vmem>>, vector<1x16xf32>,
      %get3A_176 = arith.constant 5 : i32
      %get3A_177 = arith.index_cast %get3A_176 : i32 to index
      %get3A_178 = arith.index_cast %mul3A_92 : i32 to index
      %get3A_179 = tpu.vector_load %arg5[%get3A_177, %get3A_178] {strides = array<i32>} : memref<8x256xf32, #tpu.memory_space<vmem>>, vector<1x16xf32>,
      %get3A_180 = vector.shape_cast %get3A_179 : vector<1x16xf32> to vector<16xf32>
      %get3A_181 = arith.constant 2 : i32
      %get3A_182 = arith.index_cast %get3A_181 : i32 to index
      %get3A_183 = arith.index_cast %mul3A_92 : i32 to index
      %get3A_184 = tpu.vector_load %arg6[%get3A_182, %get3A_183] {strides = array<i32>} : memref<4x256xf32, #tpu.memory_space<vmem>>, vector<1x16xf32>,
      %get3A_185 = vector.shape_cast %get3A_184 : vector<1x16xf32> to vector<16xf32>
      %add3A_186 = arith.addf %get3A_180, %get3A_185 : vector<16xf32>
      %swap3A_187 = arith.constant 5 : i32
      %swap3A_188 = arith.index_cast %swap3A_187 : i32 to index
      %swap3A_189 = arith.index_cast %mul3A_92 : i32 to index
      %swap3A_190 = tpu.vector_load %arg7[%swap3A_188, %swap3A_189] {strides = array<i32>} : memref<64x256xf32, #tpu.memory_space<vmem>>, vector<1x16xf32>,
      %swap3A_191 = vector.shape_cast %swap3A_190 : vector<1x16xf32> to vector<16xf32>
      %swap3A_192 = vector.shape_cast %add3A_186 : vector<16xf32> to vector<1x16xf32>
      tpu.vector_store %arg7[%swap3A_188, %swap3A_189], %swap3A_192 {strides = array<i32>} : memref<64x256xf32, #tpu.memory_space<vmem>>, vector<1x16xf32>,
      %get3A_193 = arith.constant 6 : i32
      %get3A_194 = arith.index_cast %get3A_193 : i32 to index
      %get3A_195 = arith.index_cast %mul3A_92 : i32 to index
      %get3A_196 = tpu.vector_load %arg5[%get3A_194, %get3A_195] {strides = array<i32>} : memref<8x256xf32, #tpu.memory_space<vmem>>, vector<1x16xf32>,
      %get3A_197 = vector.shape_cast %get3A_196 : vector<1x16xf32> to vector<16xf32>
      %get3A_198 = arith.constant 2 : i32
      %get3A_199 = arith.index_cast %get3A_198 : i32 to index
      %get3A_200 = arith.index_cast %mul3A_92 : i32 to index
      %get3A_201 = tpu.vector_load %arg6[%get3A_199, %get3A_200] {strides = array<i32>} : memref<4x256xf32, #tpu.memory_space<vmem>>, vector<1x16xf32>,
      %get3A_202 = vector.shape_cast %get3A_201 : vector<1x16xf32> to vector<16xf32>
      %add3A_203 = arith.addf %get3A_197, %get3A_202 : vector<16xf32>
      %swap3A_204 = arith.constant 6 : i32
      %swap3A_205 = arith.index_cast %swap3A_204 : i32 to index
      %swap3A_206 = arith.index_cast %mul3A_92 : i32 to index
      %swap3A_207 = tpu.vector_load %arg7[%swap3A_205, %swap3A_206] {strides = array<i32>} : memref<64x256xf32, #tpu.memory_space<vmem>>, vector<1x16xf32>,
      %swap3A_208 = vector.shape_cast %swap3A_207 : vector<1x16xf32> to vector<16xf32>
      %swap3A_209 = vector.shape_cast %add3A_203 : vector<16xf32> to vector<1x16xf32>
      tpu.vector_store %arg7[%swap3A_205, %swap3A_206], %swap3A_209 {strides = array<i32>} : memref<64x256xf32, #tpu.memory_space<vmem>>, vector<1x16xf32>,
      %get3A_210 = arith.constant 7 : i32
      %get3A_211 = arith.index_cast %get3A_210 : i32 to index
      %get3A_212 = arith.index_cast %mul3A_92 : i32 to index
      %get3A_213 = tpu.vector_load %arg5[%get3A_211, %get3A_212] {strides = array<i32>} : memref<8x256xf32, #tpu.memory_space<vmem>>, vector<1x16xf32>,
      %get3A_214 = vector.shape_cast %get3A_213 : vector<1x16xf32> to vector<16xf32>
      %get3A_215 = arith.constant 3 : i32
      %get3A_216 = arith.index_cast %get3A_215 : i32 to index
      %get3A_217 = arith.index_cast %mul3A_92 : i32 to index
      %get3A_218 = tpu.vector_load %arg6[%get3A_216, %get3A_217] {strides = array<i32>} : memref<4x256xf32, #tpu.memory_space<vmem>>, vector<1x16xf32>,
      %get3A_219 = vector.shape_cast %get3A_218 : vector<1x16xf32> to vector<16xf32>
      %add3A_220 = arith.addf %get3A_214, %get3A_219 : vector<16xf32>
      %swap3A_221 = arith.constant 7 : i32
      %swap3A_222 = arith.index_cast %swap3A_221 : i32 to index
      %swap3A_223 = arith.index_cast %mul3A_92 : i32 to index
      %swap3A_224 = tpu.vector_load %arg7[%swap3A_222, %swap3A_223] {strides = array<i32>} : memref<64x256xf32, #tpu.memory_space<vmem>>, vector<1x16xf32>,
      %swap3A_225 = vector.shape_cast %swap3A_224 : vector<1x16xf32> to vector<16xf32>
      %swap3A_226 = vector.shape_cast %add3A_220 : vector<16xf32> to vector<1x16xf32>
      tpu.vector_store %arg7[%swap3A_222, %swap3A_223], %swap3A_226 {strides = array<i32>} : memref<64x256xf32, #tpu.memory_space<vmem>>, vector<1x16xf32>,
    }
    %scan3A_3 = arith.constant 16 : i32
    %mul3A = arith.constant 2 : i32
    %mul3A_4 = arith.muli %arg1, %mul3A : i32
    %add3A = arith.addi %mul3A_4, %arg0 : i32
    %mul3A_5 = arith.constant 512 : i32
    %mul3A_6 = arith.muli %add3A, %mul3A_5 : i32
    %scan3A_7 = arith.constant 0 : i32
    %scan3A_8 = arith.constant 16 : i32
    %scan3A_9 = arith.addi %scan3A_7, %scan3A_8 : i32
    %scan3A_10 = arith.constant 1 : i32
    scf.for %scan3A_90 = %scan3A_7 to %scan3A_9 step %scan3A_10  : i32 {
      %mul3A_91 = arith.constant 16 : i32
      %mul3A_92 = arith.muli %scan3A_90, %mul3A_91 : i32
      %get3A = arith.constant 0 : i32
      %get3A_93 = arith.index_cast %get3A : i32 to index
      %get3A_94 = arith.index_cast %mul3A_92 : i32 to index
      %get3A_95 = tpu.vector_load %arg7[%get3A_93, %get3A_94] {strides = array<i32>} : memref<64x256xf32, #tpu.memory_space<vmem>>, vector<1x16xf32>,
      %get3A_96 = vector.shape_cast %get3A_95 : vector<1x16xf32> to vector<16xf32>
      %get3A_97 = arith.constant 1 : i32
      %get3A_98 = arith.index_cast %get3A_97 : i32 to index
      %get3A_99 = arith.index_cast %mul3A_92 : i32 to index
      %get3A_100 = tpu.vector_load %arg7[%get3A_98, %get3A_99] {strides = array<i32>} : memref<64x256xf32, #tpu.memory_space<vmem>>, vector<1x16xf32>,
      %get3A_101 = vector.shape_cast %get3A_100 : vector<1x16xf32> to vector<16xf32>
      %get3A_102 = arith.constant 2 : i32
      %get3A_103 = arith.index_cast %get3A_102 : i32 to index
      %get3A_104 = arith.index_cast %mul3A_92 : i32 to index
      %get3A_105 = tpu.vector_load %arg7[%get3A_103, %get3A_104] {strides = array<i32>} : memref<64x256xf32, #tpu.memory_space<vmem>>, vector<1x16xf32>,
      %get3A_106 = vector.shape_cast %get3A_105 : vector<1x16xf32> to vector<16xf32>
      %get3A_107 = arith.constant 3 : i32
      %get3A_108 = arith.index_cast %get3A_107 : i32 to index
      %get3A_109 = arith.index_cast %mul3A_92 : i32 to index
      %get3A_110 = tpu.vector_load %arg7[%get3A_108, %get3A_109] {strides = array<i32>} : memref<64x256xf32, #tpu.memory_space<vmem>>, vector<1x16xf32>,
      %get3A_111 = vector.shape_cast %get3A_110 : vector<1x16xf32> to vector<16xf32>
      %get3A_112 = arith.constant 4 : i32
      %get3A_113 = arith.index_cast %get3A_112 : i32 to index
      %get3A_114 = arith.index_cast %mul3A_92 : i32 to index
      %get3A_115 = tpu.vector_load %arg7[%get3A_113, %get3A_114] {strides = array<i32>} : memref<64x256xf32, #tpu.memory_space<vmem>>, vector<1x16xf32>,
      %get3A_116 = vector.shape_cast %get3A_115 : vector<1x16xf32> to vector<16xf32>
      %get3A_117 = arith.constant 5 : i32
      %get3A_118 = arith.index_cast %get3A_117 : i32 to index
      %get3A_119 = arith.index_cast %mul3A_92 : i32 to index
      %get3A_120 = tpu.vector_load %arg7[%get3A_118, %get3A_119] {strides = array<i32>} : memref<64x256xf32, #tpu.memory_space<vmem>>, vector<1x16xf32>,
      %get3A_121 = vector.shape_cast %get3A_120 : vector<1x16xf32> to vector<16xf32>
      %get3A_122 = arith.constant 6 : i32
      %get3A_123 = arith.index_cast %get3A_122 : i32 to index
      %get3A_124 = arith.index_cast %mul3A_92 : i32 to index
      %get3A_125 = tpu.vector_load %arg7[%get3A_123, %get3A_124] {strides = array<i32>} : memref<64x256xf32, #tpu.memory_space<vmem>>, vector<1x16xf32>,
      %get3A_126 = vector.shape_cast %get3A_125 : vector<1x16xf32> to vector<16xf32>
      %get3A_127 = arith.constant 7 : i32
      %get3A_128 = arith.index_cast %get3A_127 : i32 to index
      %get3A_129 = arith.index_cast %mul3A_92 : i32 to index
      %get3A_130 = tpu.vector_load %arg7[%get3A_128, %get3A_129] {strides = array<i32>} : memref<64x256xf32, #tpu.memory_space<vmem>>, vector<1x16xf32>,
      %get3A_131 = vector.shape_cast %get3A_130 : vector<1x16xf32> to vector<16xf32>
      %swap3A = arith.constant 8 : i32
      %swap3A_132 = arith.index_cast %swap3A : i32 to index
      %swap3A_133 = arith.index_cast %mul3A_92 : i32 to index
      %swap3A_134 = tpu.vector_load %arg7[%swap3A_132, %swap3A_133] {strides = array<i32>} : memref<64x256xf32, #tpu.memory_space<vmem>>, vector<1x16xf32>,
      %swap3A_135 = vector.shape_cast %swap3A_134 : vector<1x16xf32> to vector<16xf32>
      %swap3A_136 = vector.shape_cast %get3A_96 : vector<16xf32> to vector<1x16xf32>
      tpu.vector_store %arg7[%swap3A_132, %swap3A_133], %swap3A_136 {strides = array<i32>} : memref<64x256xf32, #tpu.memory_space<vmem>>, vector<1x16xf32>,
      %swap3A_137 = arith.constant 9 : i32
      %swap3A_138 = arith.index_cast %swap3A_137 : i32 to index
      %swap3A_139 = arith.index_cast %mul3A_92 : i32 to index
      %swap3A_140 = tpu.vector_load %arg7[%swap3A_138, %swap3A_139] {strides = array<i32>} : memref<64x256xf32, #tpu.memory_space<vmem>>, vector<1x16xf32>,
      %swap3A_141 = vector.shape_cast %swap3A_140 : vector<1x16xf32> to vector<16xf32>
      %swap3A_142 = vector.shape_cast %get3A_101 : vector<16xf32> to vector<1x16xf32>
      tpu.vector_store %arg7[%swap3A_138, %swap3A_139], %swap3A_142 {strides = array<i32>} : memref<64x256xf32, #tpu.memory_space<vmem>>, vector<1x16xf32>,
      %swap3A_143 = arith.constant 10 : i32
      %swap3A_144 = arith.index_cast %swap3A_143 : i32 to index
      %swap3A_145 = arith.index_cast %mul3A_92 : i32 to index
      %swap3A_146 = tpu.vector_load %arg7[%swap3A_144, %swap3A_145] {strides = array<i32>} : memref<64x256xf32, #tpu.memory_space<vmem>>, vector<1x16xf32>,
      %swap3A_147 = vector.shape_cast %swap3A_146 : vector<1x16xf32> to vector<16xf32>
      %swap3A_148 = vector.shape_cast %get3A_106 : vector<16xf32> to vector<1x16xf32>
      tpu.vector_store %arg7[%swap3A_144, %swap3A_145], %swap3A_148 {strides = array<i32>} : memref<64x256xf32, #tpu.memory_space<vmem>>, vector<1x16xf32>,
      %swap3A_149 = arith.constant 11 : i32
      %swap3A_150 = arith.index_cast %swap3A_149 : i32 to index
      %swap3A_151 = arith.index_cast %mul3A_92 : i32 to index
      %swap3A_152 = tpu.vector_load %arg7[%swap3A_150, %swap3A_151] {strides = array<i32>} : memref<64x256xf32, #tpu.memory_space<vmem>>, vector<1x16xf32>,
      %swap3A_153 = vector.shape_cast %swap3A_152 : vector<1x16xf32> to vector<16xf32>
      %swap3A_154 = vector.shape_cast %get3A_111 : vector<16xf32> to vector<1x16xf32>
      tpu.vector_store %arg7[%swap3A_150, %swap3A_151], %swap3A_154 {strides = array<i32>} : memref<64x256xf32, #tpu.memory_space<vmem>>, vector<1x16xf32>,
      %swap3A_155 = arith.constant 12 : i32
      %swap3A_156 = arith.index_cast %swap3A_155 : i32 to index
      %swap3A_157 = arith.index_cast %mul3A_92 : i32 to index
      %swap3A_158 = tpu.vector_load %arg7[%swap3A_156, %swap3A_157] {strides = array<i32>} : memref<64x256xf32, #tpu.memory_space<vmem>>, vector<1x16xf32>,
      %swap3A_159 = vector.shape_cast %swap3A_158 : vector<1x16xf32> to vector<16xf32>
      %swap3A_160 = vector.shape_cast %get3A_116 : vector<16xf32> to vector<1x16xf32>
      tpu.vector_store %arg7[%swap3A_156, %swap3A_157], %swap3A_160 {strides = array<i32>} : memref<64x256xf32, #tpu.memory_space<vmem>>, vector<1x16xf32>,
      %swap3A_161 = arith.constant 13 : i32
      %swap3A_162 = arith.index_cast %swap3A_161 : i32 to index
      %swap3A_163 = arith.index_cast %mul3A_92 : i32 to index
      %swap3A_164 = tpu.vector_load %arg7[%swap3A_162, %swap3A_163] {strides = array<i32>} : memref<64x256xf32, #tpu.memory_space<vmem>>, vector<1x16xf32>,
      %swap3A_165 = vector.shape_cast %swap3A_164 : vector<1x16xf32> to vector<16xf32>
      %swap3A_166 = vector.shape_cast %get3A_121 : vector<16xf32> to vector<1x16xf32>
      tpu.vector_store %arg7[%swap3A_162, %swap3A_163], %swap3A_166 {strides = array<i32>} : memref<64x256xf32, #tpu.memory_space<vmem>>, vector<1x16xf32>,
      %swap3A_167 = arith.constant 14 : i32
      %swap3A_168 = arith.index_cast %swap3A_167 : i32 to index
      %swap3A_169 = arith.index_cast %mul3A_92 : i32 to index
      %swap3A_170 = tpu.vector_load %arg7[%swap3A_168, %swap3A_169] {strides = array<i32>} : memref<64x256xf32, #tpu.memory_space<vmem>>, vector<1x16xf32>,
      %swap3A_171 = vector.shape_cast %swap3A_170 : vector<1x16xf32> to vector<16xf32>
      %swap3A_172 = vector.shape_cast %get3A_126 : vector<16xf32> to vector<1x16xf32>
      tpu.vector_store %arg7[%swap3A_168, %swap3A_169], %swap3A_172 {strides = array<i32>} : memref<64x256xf32, #tpu.memory_space<vmem>>, vector<1x16xf32>,
      %swap3A_173 = arith.constant 15 : i32
      %swap3A_174 = arith.index_cast %swap3A_173 : i32 to index
      %swap3A_175 = arith.index_cast %mul3A_92 : i32 to index
      %swap3A_176 = tpu.vector_load %arg7[%swap3A_174, %swap3A_175] {strides = array<i32>} : memref<64x256xf32, #tpu.memory_space<vmem>>, vector<1x16xf32>,
      %swap3A_177 = vector.shape_cast %swap3A_176 : vector<1x16xf32> to vector<16xf32>
      %swap3A_178 = vector.shape_cast %get3A_131 : vector<16xf32> to vector<1x16xf32>
      tpu.vector_store %arg7[%swap3A_174, %swap3A_175], %swap3A_178 {strides = array<i32>} : memref<64x256xf32, #tpu.memory_space<vmem>>, vector<1x16xf32>,
      %swap3A_179 = arith.constant 16 : i32
      %swap3A_180 = arith.index_cast %swap3A_179 : i32 to index
      %swap3A_181 = arith.index_cast %mul3A_92 : i32 to index
      %swap3A_182 = tpu.vector_load %arg7[%swap3A_180, %swap3A_181] {strides = array<i32>} : memref<64x256xf32, #tpu.memory_space<vmem>>, vector<1x16xf32>,
      %swap3A_183 = vector.shape_cast %swap3A_182 : vector<1x16xf32> to vector<16xf32>
      %swap3A_184 = vector.shape_cast %get3A_96 : vector<16xf32> to vector<1x16xf32>
      tpu.vector_store %arg7[%swap3A_180, %swap3A_181], %swap3A_184 {strides = array<i32>} : memref<64x256xf32, #tpu.memory_space<vmem>>, vector<1x16xf32>,
      %swap3A_185 = arith.constant 17 : i32
      %swap3A_186 = arith.index_cast %swap3A_185 : i32 to index
      %swap3A_187 = arith.index_cast %mul3A_92 : i32 to index
      %swap3A_188 = tpu.vector_load %arg7[%swap3A_186, %swap3A_187] {strides = array<i32>} : memref<64x256xf32, #tpu.memory_space<vmem>>, vector<1x16xf32>,
      %swap3A_189 = vector.shape_cast %swap3A_188 : vector<1x16xf32> to vector<16xf32>
      %swap3A_190 = vector.shape_cast %get3A_101 : vector<16xf32> to vector<1x16xf32>
      tpu.vector_store %arg7[%swap3A_186, %swap3A_187], %swap3A_190 {strides = array<i32>} : memref<64x256xf32, #tpu.memory_space<vmem>>, vector<1x16xf32>,
      %swap3A_191 = arith.constant 18 : i32
      %swap3A_192 = arith.index_cast %swap3A_191 : i32 to index
      %swap3A_193 = arith.index_cast %mul3A_92 : i32 to index
      %swap3A_194 = tpu.vector_load %arg7[%swap3A_192, %swap3A_193] {strides = array<i32>} : memref<64x256xf32, #tpu.memory_space<vmem>>, vector<1x16xf32>,
      %swap3A_195 = vector.shape_cast %swap3A_194 : vector<1x16xf32> to vector<16xf32>
      %swap3A_196 = vector.shape_cast %get3A_106 : vector<16xf32> to vector<1x16xf32>
      tpu.vector_store %arg7[%swap3A_192, %swap3A_193], %swap3A_196 {strides = array<i32>} : memref<64x256xf32, #tpu.memory_space<vmem>>, vector<1x16xf32>,
      %swap3A_197 = arith.constant 19 : i32
      %swap3A_198 = arith.index_cast %swap3A_197 : i32 to index
      %swap3A_199 = arith.index_cast %mul3A_92 : i32 to index
      %swap3A_200 = tpu.vector_load %arg7[%swap3A_198, %swap3A_199] {strides = array<i32>} : memref<64x256xf32, #tpu.memory_space<vmem>>, vector<1x16xf32>,
      %swap3A_201 = vector.shape_cast %swap3A_200 : vector<1x16xf32> to vector<16xf32>
      %swap3A_202 = vector.shape_cast %get3A_111 : vector<16xf32> to vector<1x16xf32>
      tpu.vector_store %arg7[%swap3A_198, %swap3A_199], %swap3A_202 {strides = array<i32>} : memref<64x256xf32, #tpu.memory_space<vmem>>, vector<1x16xf32>,
      %swap3A_203 = arith.constant 20 : i32
      %swap3A_204 = arith.index_cast %swap3A_203 : i32 to index
      %swap3A_205 = arith.index_cast %mul3A_92 : i32 to index
      %swap3A_206 = tpu.vector_load %arg7[%swap3A_204, %swap3A_205] {strides = array<i32>} : memref<64x256xf32, #tpu.memory_space<vmem>>, vector<1x16xf32>,
      %swap3A_207 = vector.shape_cast %swap3A_206 : vector<1x16xf32> to vector<16xf32>
      %swap3A_208 = vector.shape_cast %get3A_116 : vector<16xf32> to vector<1x16xf32>
      tpu.vector_store %arg7[%swap3A_204, %swap3A_205], %swap3A_208 {strides = array<i32>} : memref<64x256xf32, #tpu.memory_space<vmem>>, vector<1x16xf32>,
      %swap3A_209 = arith.constant 21 : i32
      %swap3A_210 = arith.index_cast %swap3A_209 : i32 to index
      %swap3A_211 = arith.index_cast %mul3A_92 : i32 to index
      %swap3A_212 = tpu.vector_load %arg7[%swap3A_210, %swap3A_211] {strides = array<i32>} : memref<64x256xf32, #tpu.memory_space<vmem>>, vector<1x16xf32>,
      %swap3A_213 = vector.shape_cast %swap3A_212 : vector<1x16xf32> to vector<16xf32>
      %swap3A_214 = vector.shape_cast %get3A_121 : vector<16xf32> to vector<1x16xf32>
      tpu.vector_store %arg7[%swap3A_210, %swap3A_211], %swap3A_214 {strides = array<i32>} : memref<64x256xf32, #tpu.memory_space<vmem>>, vector<1x16xf32>,
      %swap3A_215 = arith.constant 22 : i32
      %swap3A_216 = arith.index_cast %swap3A_215 : i32 to index
      %swap3A_217 = arith.index_cast %mul3A_92 : i32 to index
      %swap3A_218 = tpu.vector_load %arg7[%swap3A_216, %swap3A_217] {strides = array<i32>} : memref<64x256xf32, #tpu.memory_space<vmem>>, vector<1x16xf32>,
      %swap3A_219 = vector.shape_cast %swap3A_218 : vector<1x16xf32> to vector<16xf32>
      %swap3A_220 = vector.shape_cast %get3A_126 : vector<16xf32> to vector<1x16xf32>
      tpu.vector_store %arg7[%swap3A_216, %swap3A_217], %swap3A_220 {strides = array<i32>} : memref<64x256xf32, #tpu.memory_space<vmem>>, vector<1x16xf32>,
      %swap3A_221 = arith.constant 23 : i32
      %swap3A_222 = arith.index_cast %swap3A_221 : i32 to index
      %swap3A_223 = arith.index_cast %mul3A_92 : i32 to index
      %swap3A_224 = tpu.vector_load %arg7[%swap3A_222, %swap3A_223] {strides = array<i32>} : memref<64x256xf32, #tpu.memory_space<vmem>>, vector<1x16xf32>,
      %swap3A_225 = vector.shape_cast %swap3A_224 : vector<1x16xf32> to vector<16xf32>
      %swap3A_226 = vector.shape_cast %get3A_131 : vector<16xf32> to vector<1x16xf32>
      tpu.vector_store %arg7[%swap3A_222, %swap3A_223], %swap3A_226 {strides = array<i32>} : memref<64x256xf32, #tpu.memory_space<vmem>>, vector<1x16xf32>,
      %swap3A_227 = arith.constant 24 : i32
      %swap3A_228 = arith.index_cast %swap3A_227 : i32 to index
      %swap3A_229 = arith.index_cast %mul3A_92 : i32 to index
      %swap3A_230 = tpu.vector_load %arg7[%swap3A_228, %swap3A_229] {strides = array<i32>} : memref<64x256xf32, #tpu.memory_space<vmem>>, vector<1x16xf32>,
      %swap3A_231 = vector.shape_cast %swap3A_230 : vector<1x16xf32> to vector<16xf32>
      %swap3A_232 = vector.shape_cast %get3A_96 : vector<16xf32> to vector<1x16xf32>
      tpu.vector_store %arg7[%swap3A_228, %swap3A_229], %swap3A_232 {strides = array<i32>} : memref<64x256xf32, #tpu.memory_space<vmem>>, vector<1x16xf32>,
      %swap3A_233 = arith.constant 25 : i32
      %swap3A_234 = arith.index_cast %swap3A_233 : i32 to index
      %swap3A_235 = arith.index_cast %mul3A_92 : i32 to index
      %swap3A_236 = tpu.vector_load %arg7[%swap3A_234, %swap3A_235] {strides = array<i32>} : memref<64x256xf32, #tpu.memory_space<vmem>>, vector<1x16xf32>,
      %swap3A_237 = vector.shape_cast %swap3A_236 : vector<1x16xf32> to vector<16xf32>
      %swap3A_238 = vector.shape_cast %get3A_101 : vector<16xf32> to vector<1x16xf32>
      tpu.vector_store %arg7[%swap3A_234, %swap3A_235], %swap3A_238 {strides = array<i32>} : memref<64x256xf32, #tpu.memory_space<vmem>>, vector<1x16xf32>,
      %swap3A_239 = arith.constant 26 : i32
      %swap3A_240 = arith.index_cast %swap3A_239 : i32 to index
      %swap3A_241 = arith.index_cast %mul3A_92 : i32 to index
      %swap3A_242 = tpu.vector_load %arg7[%swap3A_240, %swap3A_241] {strides = array<i32>} : memref<64x256xf32, #tpu.memory_space<vmem>>, vector<1x16xf32>,
      %swap3A_243 = vector.shape_cast %swap3A_242 : vector<1x16xf32> to vector<16xf32>
      %swap3A_244 = vector.shape_cast %get3A_106 : vector<16xf32> to vector<1x16xf32>
      tpu.vector_store %arg7[%swap3A_240, %swap3A_241], %swap3A_244 {strides = array<i32>} : memref<64x256xf32, #tpu.memory_space<vmem>>, vector<1x16xf32>,
      %swap3A_245 = arith.constant 27 : i32
      %swap3A_246 = arith.index_cast %swap3A_245 : i32 to index
      %swap3A_247 = arith.index_cast %mul3A_92 : i32 to index
      %swap3A_248 = tpu.vector_load %arg7[%swap3A_246, %swap3A_247] {strides = array<i32>} : memref<64x256xf32, #tpu.memory_space<vmem>>, vector<1x16xf32>,
      %swap3A_249 = vector.shape_cast %swap3A_248 : vector<1x16xf32> to vector<16xf32>
      %swap3A_250 = vector.shape_cast %get3A_111 : vector<16xf32> to vector<1x16xf32>
      tpu.vector_store %arg7[%swap3A_246, %swap3A_247], %swap3A_250 {strides = array<i32>} : memref<64x256xf32, #tpu.memory_space<vmem>>, vector<1x16xf32>,
      %swap3A_251 = arith.constant 28 : i32
      %swap3A_252 = arith.index_cast %swap3A_251 : i32 to index
      %swap3A_253 = arith.index_cast %mul3A_92 : i32 to index
      %swap3A_254 = tpu.vector_load %arg7[%swap3A_252, %swap3A_253] {strides = array<i32>} : memref<64x256xf32, #tpu.memory_space<vmem>>, vector<1x16xf32>,
      %swap3A_255 = vector.shape_cast %swap3A_254 : vector<1x16xf32> to vector<16xf32>
      %swap3A_256 = vector.shape_cast %get3A_116 : vector<16xf32> to vector<1x16xf32>
      tpu.vector_store %arg7[%swap3A_252, %swap3A_253], %swap3A_256 {strides = array<i32>} : memref<64x256xf32, #tpu.memory_space<vmem>>, vector<1x16xf32>,
      %swap3A_257 = arith.constant 29 : i32
      %swap3A_258 = arith.index_cast %swap3A_257 : i32 to index
      %swap3A_259 = arith.index_cast %mul3A_92 : i32 to index
      %swap3A_260 = tpu.vector_load %arg7[%swap3A_258, %swap3A_259] {strides = array<i32>} : memref<64x256xf32, #tpu.memory_space<vmem>>, vector<1x16xf32>,
      %swap3A_261 = vector.shape_cast %swap3A_260 : vector<1x16xf32> to vector<16xf32>
      %swap3A_262 = vector.shape_cast %get3A_121 : vector<16xf32> to vector<1x16xf32>
      tpu.vector_store %arg7[%swap3A_258, %swap3A_259], %swap3A_262 {strides = array<i32>} : memref<64x256xf32, #tpu.memory_space<vmem>>, vector<1x16xf32>,
      %swap3A_263 = arith.constant 30 : i32
      %swap3A_264 = arith.index_cast %swap3A_263 : i32 to index
      %swap3A_265 = arith.index_cast %mul3A_92 : i32 to index
      %swap3A_266 = tpu.vector_load %arg7[%swap3A_264, %swap3A_265] {strides = array<i32>} : memref<64x256xf32, #tpu.memory_space<vmem>>, vector<1x16xf32>,
      %swap3A_267 = vector.shape_cast %swap3A_266 : vector<1x16xf32> to vector<16xf32>
      %swap3A_268 = vector.shape_cast %get3A_126 : vector<16xf32> to vector<1x16xf32>
      tpu.vector_store %arg7[%swap3A_264, %swap3A_265], %swap3A_268 {strides = array<i32>} : memref<64x256xf32, #tpu.memory_space<vmem>>, vector<1x16xf32>,
      %swap3A_269 = arith.constant 31 : i32
      %swap3A_270 = arith.index_cast %swap3A_269 : i32 to index
      %swap3A_271 = arith.index_cast %mul3A_92 : i32 to index
      %swap3A_272 = tpu.vector_load %arg7[%swap3A_270, %swap3A_271] {strides = array<i32>} : memref<64x256xf32, #tpu.memory_space<vmem>>, vector<1x16xf32>,
      %swap3A_273 = vector.shape_cast %swap3A_272 : vector<1x16xf32> to vector<16xf32>
      %swap3A_274 = vector.shape_cast %get3A_131 : vector<16xf32> to vector<1x16xf32>
      tpu.vector_store %arg7[%swap3A_270, %swap3A_271], %swap3A_274 {strides = array<i32>} : memref<64x256xf32, #tpu.memory_space<vmem>>, vector<1x16xf32>,
      %swap3A_275 = arith.constant 32 : i32
      %swap3A_276 = arith.index_cast %swap3A_275 : i32 to index
      %swap3A_277 = arith.index_cast %mul3A_92 : i32 to index
      %swap3A_278 = tpu.vector_load %arg7[%swap3A_276, %swap3A_277] {strides = array<i32>} : memref<64x256xf32, #tpu.memory_space<vmem>>, vector<1x16xf32>,
      %swap3A_279 = vector.shape_cast %swap3A_278 : vector<1x16xf32> to vector<16xf32>
      %swap3A_280 = vector.shape_cast %get3A_96 : vector<16xf32> to vector<1x16xf32>
      tpu.vector_store %arg7[%swap3A_276, %swap3A_277], %swap3A_280 {strides = array<i32>} : memref<64x256xf32, #tpu.memory_space<vmem>>, vector<1x16xf32>,
      %swap3A_281 = arith.constant 33 : i32
      %swap3A_282 = arith.index_cast %swap3A_281 : i32 to index
      %swap3A_283 = arith.index_cast %mul3A_92 : i32 to index
      %swap3A_284 = tpu.vector_load %arg7[%swap3A_282, %swap3A_283] {strides = array<i32>} : memref<64x256xf32, #tpu.memory_space<vmem>>, vector<1x16xf32>,
      %swap3A_285 = vector.shape_cast %swap3A_284 : vector<1x16xf32> to vector<16xf32>
      %swap3A_286 = vector.shape_cast %get3A_101 : vector<16xf32> to vector<1x16xf32>
      tpu.vector_store %arg7[%swap3A_282, %swap3A_283], %swap3A_286 {strides = array<i32>} : memref<64x256xf32, #tpu.memory_space<vmem>>, vector<1x16xf32>,
      %swap3A_287 = arith.constant 34 : i32
      %swap3A_288 = arith.index_cast %swap3A_287 : i32 to index
      %swap3A_289 = arith.index_cast %mul3A_92 : i32 to index
      %swap3A_290 = tpu.vector_load %arg7[%swap3A_288, %swap3A_289] {strides = array<i32>} : memref<64x256xf32, #tpu.memory_space<vmem>>, vector<1x16xf32>,
      %swap3A_291 = vector.shape_cast %swap3A_290 : vector<1x16xf32> to vector<16xf32>
      %swap3A_292 = vector.shape_cast %get3A_106 : vector<16xf32> to vector<1x16xf32>
      tpu.vector_store %arg7[%swap3A_288, %swap3A_289], %swap3A_292 {strides = array<i32>} : memref<64x256xf32, #tpu.memory_space<vmem>>, vector<1x16xf32>,
      %swap3A_293 = arith.constant 35 : i32
      %swap3A_294 = arith.index_cast %swap3A_293 : i32 to index
      %swap3A_295 = arith.index_cast %mul3A_92 : i32 to index
      %swap3A_296 = tpu.vector_load %arg7[%swap3A_294, %swap3A_295] {strides = array<i32>} : memref<64x256xf32, #tpu.memory_space<vmem>>, vector<1x16xf32>,
      %swap3A_297 = vector.shape_cast %swap3A_296 : vector<1x16xf32> to vector<16xf32>
      %swap3A_298 = vector.shape_cast %get3A_111 : vector<16xf32> to vector<1x16xf32>
      tpu.vector_store %arg7[%swap3A_294, %swap3A_295], %swap3A_298 {strides = array<i32>} : memref<64x256xf32, #tpu.memory_space<vmem>>, vector<1x16xf32>,
      %swap3A_299 = arith.constant 36 : i32
      %swap3A_300 = arith.index_cast %swap3A_299 : i32 to index
      %swap3A_301 = arith.index_cast %mul3A_92 : i32 to index
      %swap3A_302 = tpu.vector_load %arg7[%swap3A_300, %swap3A_301] {strides = array<i32>} : memref<64x256xf32, #tpu.memory_space<vmem>>, vector<1x16xf32>,
      %swap3A_303 = vector.shape_cast %swap3A_302 : vector<1x16xf32> to vector<16xf32>
      %swap3A_304 = vector.shape_cast %get3A_116 : vector<16xf32> to vector<1x16xf32>
      tpu.vector_store %arg7[%swap3A_300, %swap3A_301], %swap3A_304 {strides = array<i32>} : memref<64x256xf32, #tpu.memory_space<vmem>>, vector<1x16xf32>,
      %swap3A_305 = arith.constant 37 : i32
      %swap3A_306 = arith.index_cast %swap3A_305 : i32 to index
      %swap3A_307 = arith.index_cast %mul3A_92 : i32 to index
      %swap3A_308 = tpu.vector_load %arg7[%swap3A_306, %swap3A_307] {strides = array<i32>} : memref<64x256xf32, #tpu.memory_space<vmem>>, vector<1x16xf32>,
      %swap3A_309 = vector.shape_cast %swap3A_308 : vector<1x16xf32> to vector<16xf32>
      %swap3A_310 = vector.shape_cast %get3A_121 : vector<16xf32> to vector<1x16xf32>
      tpu.vector_store %arg7[%swap3A_306, %swap3A_307], %swap3A_310 {strides = array<i32>} : memref<64x256xf32, #tpu.memory_space<vmem>>, vector<1x16xf32>,
      %swap3A_311 = arith.constant 38 : i32
      %swap3A_312 = arith.index_cast %swap3A_311 : i32 to index
      %swap3A_313 = arith.index_cast %mul3A_92 : i32 to index
      %swap3A_314 = tpu.vector_load %arg7[%swap3A_312, %swap3A_313] {strides = array<i32>} : memref<64x256xf32, #tpu.memory_space<vmem>>, vector<1x16xf32>,
      %swap3A_315 = vector.shape_cast %swap3A_314 : vector<1x16xf32> to vector<16xf32>
      %swap3A_316 = vector.shape_cast %get3A_126 : vector<16xf32> to vector<1x16xf32>
      tpu.vector_store %arg7[%swap3A_312, %swap3A_313], %swap3A_316 {strides = array<i32>} : memref<64x256xf32, #tpu.memory_space<vmem>>, vector<1x16xf32>,
      %swap3A_317 = arith.constant 39 : i32
      %swap3A_318 = arith.index_cast %swap3A_317 : i32 to index
      %swap3A_319 = arith.index_cast %mul3A_92 : i32 to index
      %swap3A_320 = tpu.vector_load %arg7[%swap3A_318, %swap3A_319] {strides = array<i32>} : memref<64x256xf32, #tpu.memory_space<vmem>>, vector<1x16xf32>,
      %swap3A_321 = vector.shape_cast %swap3A_320 : vector<1x16xf32> to vector<16xf32>
      %swap3A_322 = vector.shape_cast %get3A_131 : vector<16xf32> to vector<1x16xf32>
      tpu.vector_store %arg7[%swap3A_318, %swap3A_319], %swap3A_322 {strides = array<i32>} : memref<64x256xf32, #tpu.memory_space<vmem>>, vector<1x16xf32>,
      %swap3A_323 = arith.constant 40 : i32
      %swap3A_324 = arith.index_cast %swap3A_323 : i32 to index
      %swap3A_325 = arith.index_cast %mul3A_92 : i32 to index
      %swap3A_326 = tpu.vector_load %arg7[%swap3A_324, %swap3A_325] {strides = array<i32>} : memref<64x256xf32, #tpu.memory_space<vmem>>, vector<1x16xf32>,
      %swap3A_327 = vector.shape_cast %swap3A_326 : vector<1x16xf32> to vector<16xf32>
      %swap3A_328 = vector.shape_cast %get3A_96 : vector<16xf32> to vector<1x16xf32>
      tpu.vector_store %arg7[%swap3A_324, %swap3A_325], %swap3A_328 {strides = array<i32>} : memref<64x256xf32, #tpu.memory_space<vmem>>, vector<1x16xf32>,
      %swap3A_329 = arith.constant 41 : i32
      %swap3A_330 = arith.index_cast %swap3A_329 : i32 to index
      %swap3A_331 = arith.index_cast %mul3A_92 : i32 to index
      %swap3A_332 = tpu.vector_load %arg7[%swap3A_330, %swap3A_331] {strides = array<i32>} : memref<64x256xf32, #tpu.memory_space<vmem>>, vector<1x16xf32>,
      %swap3A_333 = vector.shape_cast %swap3A_332 : vector<1x16xf32> to vector<16xf32>
      %swap3A_334 = vector.shape_cast %get3A_101 : vector<16xf32> to vector<1x16xf32>
      tpu.vector_store %arg7[%swap3A_330, %swap3A_331], %swap3A_334 {strides = array<i32>} : memref<64x256xf32, #tpu.memory_space<vmem>>, vector<1x16xf32>,
      %swap3A_335 = arith.constant 42 : i32
      %swap3A_336 = arith.index_cast %swap3A_335 : i32 to index
      %swap3A_337 = arith.index_cast %mul3A_92 : i32 to index
      %swap3A_338 = tpu.vector_load %arg7[%swap3A_336, %swap3A_337] {strides = array<i32>} : memref<64x256xf32, #tpu.memory_space<vmem>>, vector<1x16xf32>,
      %swap3A_339 = vector.shape_cast %swap3A_338 : vector<1x16xf32> to vector<16xf32>
      %swap3A_340 = vector.shape_cast %get3A_106 : vector<16xf32> to vector<1x16xf32>
      tpu.vector_store %arg7[%swap3A_336, %swap3A_337], %swap3A_340 {strides = array<i32>} : memref<64x256xf32, #tpu.memory_space<vmem>>, vector<1x16xf32>,
      %swap3A_341 = arith.constant 43 : i32
      %swap3A_342 = arith.index_cast %swap3A_341 : i32 to index
      %swap3A_343 = arith.index_cast %mul3A_92 : i32 to index
      %swap3A_344 = tpu.vector_load %arg7[%swap3A_342, %swap3A_343] {strides = array<i32>} : memref<64x256xf32, #tpu.memory_space<vmem>>, vector<1x16xf32>,
      %swap3A_345 = vector.shape_cast %swap3A_344 : vector<1x16xf32> to vector<16xf32>
      %swap3A_346 = vector.shape_cast %get3A_111 : vector<16xf32> to vector<1x16xf32>
      tpu.vector_store %arg7[%swap3A_342, %swap3A_343], %swap3A_346 {strides = array<i32>} : memref<64x256xf32, #tpu.memory_space<vmem>>, vector<1x16xf32>,
      %swap3A_347 = arith.constant 44 : i32
      %swap3A_348 = arith.index_cast %swap3A_347 : i32 to index
      %swap3A_349 = arith.index_cast %mul3A_92 : i32 to index
      %swap3A_350 = tpu.vector_load %arg7[%swap3A_348, %swap3A_349] {strides = array<i32>} : memref<64x256xf32, #tpu.memory_space<vmem>>, vector<1x16xf32>,
      %swap3A_351 = vector.shape_cast %swap3A_350 : vector<1x16xf32> to vector<16xf32>
      %swap3A_352 = vector.shape_cast %get3A_116 : vector<16xf32> to vector<1x16xf32>
      tpu.vector_store %arg7[%swap3A_348, %swap3A_349], %swap3A_352 {strides = array<i32>} : memref<64x256xf32, #tpu.memory_space<vmem>>, vector<1x16xf32>,
      %swap3A_353 = arith.constant 45 : i32
      %swap3A_354 = arith.index_cast %swap3A_353 : i32 to index
      %swap3A_355 = arith.index_cast %mul3A_92 : i32 to index
      %swap3A_356 = tpu.vector_load %arg7[%swap3A_354, %swap3A_355] {strides = array<i32>} : memref<64x256xf32, #tpu.memory_space<vmem>>, vector<1x16xf32>,
      %swap3A_357 = vector.shape_cast %swap3A_356 : vector<1x16xf32> to vector<16xf32>
      %swap3A_358 = vector.shape_cast %get3A_121 : vector<16xf32> to vector<1x16xf32>
      tpu.vector_store %arg7[%swap3A_354, %swap3A_355], %swap3A_358 {strides = array<i32>} : memref<64x256xf32, #tpu.memory_space<vmem>>, vector<1x16xf32>,
      %swap3A_359 = arith.constant 46 : i32
      %swap3A_360 = arith.index_cast %swap3A_359 : i32 to index
      %swap3A_361 = arith.index_cast %mul3A_92 : i32 to index
      %swap3A_362 = tpu.vector_load %arg7[%swap3A_360, %swap3A_361] {strides = array<i32>} : memref<64x256xf32, #tpu.memory_space<vmem>>, vector<1x16xf32>,
      %swap3A_363 = vector.shape_cast %swap3A_362 : vector<1x16xf32> to vector<16xf32>
      %swap3A_364 = vector.shape_cast %get3A_126 : vector<16xf32> to vector<1x16xf32>
      tpu.vector_store %arg7[%swap3A_360, %swap3A_361], %swap3A_364 {strides = array<i32>} : memref<64x256xf32, #tpu.memory_space<vmem>>, vector<1x16xf32>,
      %swap3A_365 = arith.constant 47 : i32
      %swap3A_366 = arith.index_cast %swap3A_365 : i32 to index
      %swap3A_367 = arith.index_cast %mul3A_92 : i32 to index
      %swap3A_368 = tpu.vector_load %arg7[%swap3A_366, %swap3A_367] {strides = array<i32>} : memref<64x256xf32, #tpu.memory_space<vmem>>, vector<1x16xf32>,
      %swap3A_369 = vector.shape_cast %swap3A_368 : vector<1x16xf32> to vector<16xf32>
      %swap3A_370 = vector.shape_cast %get3A_131 : vector<16xf32> to vector<1x16xf32>
      tpu.vector_store %arg7[%swap3A_366, %swap3A_367], %swap3A_370 {strides = array<i32>} : memref<64x256xf32, #tpu.memory_space<vmem>>, vector<1x16xf32>,
      %swap3A_371 = arith.constant 48 : i32
      %swap3A_372 = arith.index_cast %swap3A_371 : i32 to index
      %swap3A_373 = arith.index_cast %mul3A_92 : i32 to index
      %swap3A_374 = tpu.vector_load %arg7[%swap3A_372, %swap3A_373] {strides = array<i32>} : memref<64x256xf32, #tpu.memory_space<vmem>>, vector<1x16xf32>,
      %swap3A_375 = vector.shape_cast %swap3A_374 : vector<1x16xf32> to vector<16xf32>
      %swap3A_376 = vector.shape_cast %get3A_96 : vector<16xf32> to vector<1x16xf32>
      tpu.vector_store %arg7[%swap3A_372, %swap3A_373], %swap3A_376 {strides = array<i32>} : memref<64x256xf32, #tpu.memory_space<vmem>>, vector<1x16xf32>,
      %swap3A_377 = arith.constant 49 : i32
      %swap3A_378 = arith.index_cast %swap3A_377 : i32 to index
      %swap3A_379 = arith.index_cast %mul3A_92 : i32 to index
      %swap3A_380 = tpu.vector_load %arg7[%swap3A_378, %swap3A_379] {strides = array<i32>} : memref<64x256xf32, #tpu.memory_space<vmem>>, vector<1x16xf32>,
      %swap3A_381 = vector.shape_cast %swap3A_380 : vector<1x16xf32> to vector<16xf32>
      %swap3A_382 = vector.shape_cast %get3A_101 : vector<16xf32> to vector<1x16xf32>
      tpu.vector_store %arg7[%swap3A_378, %swap3A_379], %swap3A_382 {strides = array<i32>} : memref<64x256xf32, #tpu.memory_space<vmem>>, vector<1x16xf32>,
      %swap3A_383 = arith.constant 50 : i32
      %swap3A_384 = arith.index_cast %swap3A_383 : i32 to index
      %swap3A_385 = arith.index_cast %mul3A_92 : i32 to index
      %swap3A_386 = tpu.vector_load %arg7[%swap3A_384, %swap3A_385] {strides = array<i32>} : memref<64x256xf32, #tpu.memory_space<vmem>>, vector<1x16xf32>,
      %swap3A_387 = vector.shape_cast %swap3A_386 : vector<1x16xf32> to vector<16xf32>
      %swap3A_388 = vector.shape_cast %get3A_106 : vector<16xf32> to vector<1x16xf32>
      tpu.vector_store %arg7[%swap3A_384, %swap3A_385], %swap3A_388 {strides = array<i32>} : memref<64x256xf32, #tpu.memory_space<vmem>>, vector<1x16xf32>,
      %swap3A_389 = arith.constant 51 : i32
      %swap3A_390 = arith.index_cast %swap3A_389 : i32 to index
      %swap3A_391 = arith.index_cast %mul3A_92 : i32 to index
      %swap3A_392 = tpu.vector_load %arg7[%swap3A_390, %swap3A_391] {strides = array<i32>} : memref<64x256xf32, #tpu.memory_space<vmem>>, vector<1x16xf32>,
      %swap3A_393 = vector.shape_cast %swap3A_392 : vector<1x16xf32> to vector<16xf32>
      %swap3A_394 = vector.shape_cast %get3A_111 : vector<16xf32> to vector<1x16xf32>
      tpu.vector_store %arg7[%swap3A_390, %swap3A_391], %swap3A_394 {strides = array<i32>} : memref<64x256xf32, #tpu.memory_space<vmem>>, vector<1x16xf32>,
      %swap3A_395 = arith.constant 52 : i32
      %swap3A_396 = arith.index_cast %swap3A_395 : i32 to index
      %swap3A_397 = arith.index_cast %mul3A_92 : i32 to index
      %swap3A_398 = tpu.vector_load %arg7[%swap3A_396, %swap3A_397] {strides = array<i32>} : memref<64x256xf32, #tpu.memory_space<vmem>>, vector<1x16xf32>,
      %swap3A_399 = vector.shape_cast %swap3A_398 : vector<1x16xf32> to vector<16xf32>
      %swap3A_400 = vector.shape_cast %get3A_116 : vector<16xf32> to vector<1x16xf32>
      tpu.vector_store %arg7[%swap3A_396, %swap3A_397], %swap3A_400 {strides = array<i32>} : memref<64x256xf32, #tpu.memory_space<vmem>>, vector<1x16xf32>,
      %swap3A_401 = arith.constant 53 : i32
      %swap3A_402 = arith.index_cast %swap3A_401 : i32 to index
      %swap3A_403 = arith.index_cast %mul3A_92 : i32 to index
      %swap3A_404 = tpu.vector_load %arg7[%swap3A_402, %swap3A_403] {strides = array<i32>} : memref<64x256xf32, #tpu.memory_space<vmem>>, vector<1x16xf32>,
      %swap3A_405 = vector.shape_cast %swap3A_404 : vector<1x16xf32> to vector<16xf32>
      %swap3A_406 = vector.shape_cast %get3A_121 : vector<16xf32> to vector<1x16xf32>
      tpu.vector_store %arg7[%swap3A_402, %swap3A_403], %swap3A_406 {strides = array<i32>} : memref<64x256xf32, #tpu.memory_space<vmem>>, vector<1x16xf32>,
      %swap3A_407 = arith.constant 54 : i32
      %swap3A_408 = arith.index_cast %swap3A_407 : i32 to index
      %swap3A_409 = arith.index_cast %mul3A_92 : i32 to index
      %swap3A_410 = tpu.vector_load %arg7[%swap3A_408, %swap3A_409] {strides = array<i32>} : memref<64x256xf32, #tpu.memory_space<vmem>>, vector<1x16xf32>,
      %swap3A_411 = vector.shape_cast %swap3A_410 : vector<1x16xf32> to vector<16xf32>
      %swap3A_412 = vector.shape_cast %get3A_126 : vector<16xf32> to vector<1x16xf32>
      tpu.vector_store %arg7[%swap3A_408, %swap3A_409], %swap3A_412 {strides = array<i32>} : memref<64x256xf32, #tpu.memory_space<vmem>>, vector<1x16xf32>,
      %swap3A_413 = arith.constant 55 : i32
      %swap3A_414 = arith.index_cast %swap3A_413 : i32 to index
      %swap3A_415 = arith.index_cast %mul3A_92 : i32 to index
      %swap3A_416 = tpu.vector_load %arg7[%swap3A_414, %swap3A_415] {strides = array<i32>} : memref<64x256xf32, #tpu.memory_space<vmem>>, vector<1x16xf32>,
      %swap3A_417 = vector.shape_cast %swap3A_416 : vector<1x16xf32> to vector<16xf32>
      %swap3A_418 = vector.shape_cast %get3A_131 : vector<16xf32> to vector<1x16xf32>
      tpu.vector_store %arg7[%swap3A_414, %swap3A_415], %swap3A_418 {strides = array<i32>} : memref<64x256xf32, #tpu.memory_space<vmem>>, vector<1x16xf32>,
      %swap3A_419 = arith.constant 56 : i32
      %swap3A_420 = arith.index_cast %swap3A_419 : i32 to index
      %swap3A_421 = arith.index_cast %mul3A_92 : i32 to index
      %swap3A_422 = tpu.vector_load %arg7[%swap3A_420, %swap3A_421] {strides = array<i32>} : memref<64x256xf32, #tpu.memory_space<vmem>>, vector<1x16xf32>,
      %swap3A_423 = vector.shape_cast %swap3A_422 : vector<1x16xf32> to vector<16xf32>
      %swap3A_424 = vector.shape_cast %get3A_96 : vector<16xf32> to vector<1x16xf32>
      tpu.vector_store %arg7[%swap3A_420, %swap3A_421], %swap3A_424 {strides = array<i32>} : memref<64x256xf32, #tpu.memory_space<vmem>>, vector<1x16xf32>,
      %swap3A_425 = arith.constant 57 : i32
      %swap3A_426 = arith.index_cast %swap3A_425 : i32 to index
      %swap3A_427 = arith.index_cast %mul3A_92 : i32 to index
      %swap3A_428 = tpu.vector_load %arg7[%swap3A_426, %swap3A_427] {strides = array<i32>} : memref<64x256xf32, #tpu.memory_space<vmem>>, vector<1x16xf32>,
      %swap3A_429 = vector.shape_cast %swap3A_428 : vector<1x16xf32> to vector<16xf32>
      %swap3A_430 = vector.shape_cast %get3A_101 : vector<16xf32> to vector<1x16xf32>
      tpu.vector_store %arg7[%swap3A_426, %swap3A_427], %swap3A_430 {strides = array<i32>} : memref<64x256xf32, #tpu.memory_space<vmem>>, vector<1x16xf32>,
      %swap3A_431 = arith.constant 58 : i32
      %swap3A_432 = arith.index_cast %swap3A_431 : i32 to index
      %swap3A_433 = arith.index_cast %mul3A_92 : i32 to index
      %swap3A_434 = tpu.vector_load %arg7[%swap3A_432, %swap3A_433] {strides = array<i32>} : memref<64x256xf32, #tpu.memory_space<vmem>>, vector<1x16xf32>,
      %swap3A_435 = vector.shape_cast %swap3A_434 : vector<1x16xf32> to vector<16xf32>
      %swap3A_436 = vector.shape_cast %get3A_106 : vector<16xf32> to vector<1x16xf32>
      tpu.vector_store %arg7[%swap3A_432, %swap3A_433], %swap3A_436 {strides = array<i32>} : memref<64x256xf32, #tpu.memory_space<vmem>>, vector<1x16xf32>,
      %swap3A_437 = arith.constant 59 : i32
      %swap3A_438 = arith.index_cast %swap3A_437 : i32 to index
      %swap3A_439 = arith.index_cast %mul3A_92 : i32 to index
      %swap3A_440 = tpu.vector_load %arg7[%swap3A_438, %swap3A_439] {strides = array<i32>} : memref<64x256xf32, #tpu.memory_space<vmem>>, vector<1x16xf32>,
      %swap3A_441 = vector.shape_cast %swap3A_440 : vector<1x16xf32> to vector<16xf32>
      %swap3A_442 = vector.shape_cast %get3A_111 : vector<16xf32> to vector<1x16xf32>
      tpu.vector_store %arg7[%swap3A_438, %swap3A_439], %swap3A_442 {strides = array<i32>} : memref<64x256xf32, #tpu.memory_space<vmem>>, vector<1x16xf32>,
      %swap3A_443 = arith.constant 60 : i32
      %swap3A_444 = arith.index_cast %swap3A_443 : i32 to index
      %swap3A_445 = arith.index_cast %mul3A_92 : i32 to index
      %swap3A_446 = tpu.vector_load %arg7[%swap3A_444, %swap3A_445] {strides = array<i32>} : memref<64x256xf32, #tpu.memory_space<vmem>>, vector<1x16xf32>,
      %swap3A_447 = vector.shape_cast %swap3A_446 : vector<1x16xf32> to vector<16xf32>
      %swap3A_448 = vector.shape_cast %get3A_116 : vector<16xf32> to vector<1x16xf32>
      tpu.vector_store %arg7[%swap3A_444, %swap3A_445], %swap3A_448 {strides = array<i32>} : memref<64x256xf32, #tpu.memory_space<vmem>>, vector<1x16xf32>,
      %swap3A_449 = arith.constant 61 : i32
      %swap3A_450 = arith.index_cast %swap3A_449 : i32 to index
      %swap3A_451 = arith.index_cast %mul3A_92 : i32 to index
      %swap3A_452 = tpu.vector_load %arg7[%swap3A_450, %swap3A_451] {strides = array<i32>} : memref<64x256xf32, #tpu.memory_space<vmem>>, vector<1x16xf32>,
      %swap3A_453 = vector.shape_cast %swap3A_452 : vector<1x16xf32> to vector<16xf32>
      %swap3A_454 = vector.shape_cast %get3A_121 : vector<16xf32> to vector<1x16xf32>
      tpu.vector_store %arg7[%swap3A_450, %swap3A_451], %swap3A_454 {strides = array<i32>} : memref<64x256xf32, #tpu.memory_space<vmem>>, vector<1x16xf32>,
      %swap3A_455 = arith.constant 62 : i32
      %swap3A_456 = arith.index_cast %swap3A_455 : i32 to index
      %swap3A_457 = arith.index_cast %mul3A_92 : i32 to index
      %swap3A_458 = tpu.vector_load %arg7[%swap3A_456, %swap3A_457] {strides = array<i32>} : memref<64x256xf32, #tpu.memory_space<vmem>>, vector<1x16xf32>,
      %swap3A_459 = vector.shape_cast %swap3A_458 : vector<1x16xf32> to vector<16xf32>
      %swap3A_460 = vector.shape_cast %get3A_126 : vector<16xf32> to vector<1x16xf32>
      tpu.vector_store %arg7[%swap3A_456, %swap3A_457], %swap3A_460 {strides = array<i32>} : memref<64x256xf32, #tpu.memory_space<vmem>>, vector<1x16xf32>,
      %swap3A_461 = arith.constant 63 : i32
      %swap3A_462 = arith.index_cast %swap3A_461 : i32 to index
      %swap3A_463 = arith.index_cast %mul3A_92 : i32 to index
      %swap3A_464 = tpu.vector_load %arg7[%swap3A_462, %swap3A_463] {strides = array<i32>} : memref<64x256xf32, #tpu.memory_space<vmem>>, vector<1x16xf32>,
      %swap3A_465 = vector.shape_cast %swap3A_464 : vector<1x16xf32> to vector<16xf32>
      %swap3A_466 = vector.shape_cast %get3A_131 : vector<16xf32> to vector<1x16xf32>
      tpu.vector_store %arg7[%swap3A_462, %swap3A_463], %swap3A_466 {strides = array<i32>} : memref<64x256xf32, #tpu.memory_space<vmem>>, vector<1x16xf32>,
    }
    %scan3A_11 = arith.constant 16 : i32
    %add3A_12 = arith.constant 0 : i32
    %add3A_13 = arith.addi %mul3A_6, %add3A_12 : i32
    %dma_start3A = arith.constant 0 : i32
    %dma_start3A_14 = tpu.memref_slice %arg4[%add3A_13, %dma_start3A] : memref<16384x256xf32, #tpu.memory_space<hbm>> -> memref<64x256xf32, #tpu.memory_space<hbm>>
    %dma_start3A_15 = arith.constant 0 : i32
    %dma_start3A_16 = tpu.memref_slice %arg4[%add3A_13, %dma_start3A_15] : memref<16384x256xf32, #tpu.memory_space<hbm>> -> memref<64x256xf32, #tpu.memory_space<hbm>>
    tpu.enqueue_dma source(%arg7 : memref<64x256xf32, #tpu.memory_space<vmem>>) target(%dma_start3A_16 : memref<64x256xf32, #tpu.memory_space<hbm>>) target_semaphore(%arg8 : memref<!tpu.dma_semaphore, #tpu.memory_space<semaphore_mem>>)
    %add3A_17 = arith.constant 64 : i32
    %add3A_18 = arith.addi %mul3A_6, %add3A_17 : i32
    %dma_start3A_19 = arith.constant 0 : i32
    %dma_start3A_20 = tpu.memref_slice %arg4[%add3A_18, %dma_start3A_19] : memref<16384x256xf32, #tpu.memory_space<hbm>> -> memref<64x256xf32, #tpu.memory_space<hbm>>
    %dma_start3A_21 = arith.constant 0 : i32
    %dma_start3A_22 = tpu.memref_slice %arg4[%add3A_18, %dma_start3A_21] : memref<16384x256xf32, #tpu.memory_space<hbm>> -> memref<64x256xf32, #tpu.memory_space<hbm>>
    tpu.enqueue_dma source(%arg7 : memref<64x256xf32, #tpu.memory_space<vmem>>) target(%dma_start3A_22 : memref<64x256xf32, #tpu.memory_space<hbm>>) target_semaphore(%arg8 : memref<!tpu.dma_semaphore, #tpu.memory_space<semaphore_mem>>)
    %add3A_23 = arith.constant 128 : i32
    %add3A_24 = arith.addi %mul3A_6, %add3A_23 : i32
    %dma_start3A_25 = arith.constant 0 : i32
    %dma_start3A_26 = tpu.memref_slice %arg4[%add3A_24, %dma_start3A_25] : memref<16384x256xf32, #tpu.memory_space<hbm>> -> memref<64x256xf32, #tpu.memory_space<hbm>>
    %dma_start3A_27 = arith.constant 0 : i32
    %dma_start3A_28 = tpu.memref_slice %arg4[%add3A_24, %dma_start3A_27] : memref<16384x256xf32, #tpu.memory_space<hbm>> -> memref<64x256xf32, #tpu.memory_space<hbm>>
    tpu.enqueue_dma source(%arg7 : memref<64x256xf32, #tpu.memory_space<vmem>>) target(%dma_start3A_28 : memref<64x256xf32, #tpu.memory_space<hbm>>) target_semaphore(%arg8 : memref<!tpu.dma_semaphore, #tpu.memory_space<semaphore_mem>>)
    %add3A_29 = arith.constant 192 : i32
    %add3A_30 = arith.addi %mul3A_6, %add3A_29 : i32
    %dma_start3A_31 = arith.constant 0 : i32
    %dma_start3A_32 = tpu.memref_slice %arg4[%add3A_30, %dma_start3A_31] : memref<16384x256xf32, #tpu.memory_space<hbm>> -> memref<64x256xf32, #tpu.memory_space<hbm>>
    %dma_start3A_33 = arith.constant 0 : i32
    %dma_start3A_34 = tpu.memref_slice %arg4[%add3A_30, %dma_start3A_33] : memref<16384x256xf32, #tpu.memory_space<hbm>> -> memref<64x256xf32, #tpu.memory_space<hbm>>
    tpu.enqueue_dma source(%arg7 : memref<64x256xf32, #tpu.memory_space<vmem>>) target(%dma_start3A_34 : memref<64x256xf32, #tpu.memory_space<hbm>>) target_semaphore(%arg8 : memref<!tpu.dma_semaphore, #tpu.memory_space<semaphore_mem>>)
    %add3A_35 = arith.constant 256 : i32
    %add3A_36 = arith.addi %mul3A_6, %add3A_35 : i32
    %dma_start3A_37 = arith.constant 0 : i32
    %dma_start3A_38 = tpu.memref_slice %arg4[%add3A_36, %dma_start3A_37] : memref<16384x256xf32, #tpu.memory_space<hbm>> -> memref<64x256xf32, #tpu.memory_space<hbm>>
    %dma_start3A_39 = arith.constant 0 : i32
    %dma_start3A_40 = tpu.memref_slice %arg4[%add3A_36, %dma_start3A_39] : memref<16384x256xf32, #tpu.memory_space<hbm>> -> memref<64x256xf32, #tpu.memory_space<hbm>>
    tpu.enqueue_dma source(%arg7 : memref<64x256xf32, #tpu.memory_space<vmem>>) target(%dma_start3A_40 : memref<64x256xf32, #tpu.memory_space<hbm>>) target_semaphore(%arg8 : memref<!tpu.dma_semaphore, #tpu.memory_space<semaphore_mem>>)
    %add3A_41 = arith.constant 320 : i32
    %add3A_42 = arith.addi %mul3A_6, %add3A_41 : i32
    %dma_start3A_43 = arith.constant 0 : i32
    %dma_start3A_44 = tpu.memref_slice %arg4[%add3A_42, %dma_start3A_43] : memref<16384x256xf32, #tpu.memory_space<hbm>> -> memref<64x256xf32, #tpu.memory_space<hbm>>
    %dma_start3A_45 = arith.constant 0 : i32
    %dma_start3A_46 = tpu.memref_slice %arg4[%add3A_42, %dma_start3A_45] : memref<16384x256xf32, #tpu.memory_space<hbm>> -> memref<64x256xf32, #tpu.memory_space<hbm>>
    tpu.enqueue_dma source(%arg7 : memref<64x256xf32, #tpu.memory_space<vmem>>) target(%dma_start3A_46 : memref<64x256xf32, #tpu.memory_space<hbm>>) target_semaphore(%arg8 : memref<!tpu.dma_semaphore, #tpu.memory_space<semaphore_mem>>)
    %add3A_47 = arith.constant 384 : i32
    %add3A_48 = arith.addi %mul3A_6, %add3A_47 : i32
    %dma_start3A_49 = arith.constant 0 : i32
    %dma_start3A_50 = tpu.memref_slice %arg4[%add3A_48, %dma_start3A_49] : memref<16384x256xf32, #tpu.memory_space<hbm>> -> memref<64x256xf32, #tpu.memory_space<hbm>>
    %dma_start3A_51 = arith.constant 0 : i32
    %dma_start3A_52 = tpu.memref_slice %arg4[%add3A_48, %dma_start3A_51] : memref<16384x256xf32, #tpu.memory_space<hbm>> -> memref<64x256xf32, #tpu.memory_space<hbm>>
    tpu.enqueue_dma source(%arg7 : memref<64x256xf32, #tpu.memory_space<vmem>>) target(%dma_start3A_52 : memref<64x256xf32, #tpu.memory_space<hbm>>) target_semaphore(%arg8 : memref<!tpu.dma_semaphore, #tpu.memory_space<semaphore_mem>>)
    %add3A_53 = arith.constant 448 : i32
    %add3A_54 = arith.addi %mul3A_6, %add3A_53 : i32
    %dma_start3A_55 = arith.constant 0 : i32
    %dma_start3A_56 = tpu.memref_slice %arg4[%add3A_54, %dma_start3A_55] : memref<16384x256xf32, #tpu.memory_space<hbm>> -> memref<64x256xf32, #tpu.memory_space<hbm>>
    %dma_start3A_57 = arith.constant 0 : i32
    %dma_start3A_58 = tpu.memref_slice %arg4[%add3A_54, %dma_start3A_57] : memref<16384x256xf32, #tpu.memory_space<hbm>> -> memref<64x256xf32, #tpu.memory_space<hbm>>
    tpu.enqueue_dma source(%arg7 : memref<64x256xf32, #tpu.memory_space<vmem>>) target(%dma_start3A_58 : memref<64x256xf32, #tpu.memory_space<hbm>>) target_semaphore(%arg8 : memref<!tpu.dma_semaphore, #tpu.memory_space<semaphore_mem>>)
    %dma_wait3A = arith.constant 0 : i32
    %dma_wait3A_59 = tpu.memref_slice %arg4[%add3A_13, %dma_wait3A] : memref<16384x256xf32, #tpu.memory_space<hbm>> -> memref<64x256xf32, #tpu.memory_space<hbm>>
    %dma_wait3A_60 = arith.constant 0 : i32
    %dma_wait3A_61 = tpu.memref_slice %arg4[%add3A_13, %dma_wait3A_60] : memref<16384x256xf32, #tpu.memory_space<hbm>> -> memref<64x256xf32, #tpu.memory_space<hbm>>
    tpu.wait_dma2 semaphore(%arg8 : memref<!tpu.dma_semaphore, #tpu.memory_space<semaphore_mem>>) src(%arg7 : memref<64x256xf32, #tpu.memory_space<vmem>>) dst(%dma_wait3A_61 : memref<64x256xf32, #tpu.memory_space<hbm>>)
    %dma_wait3A_62 = arith.constant 0 : i32
    %dma_wait3A_63 = tpu.memref_slice %arg4[%add3A_18, %dma_wait3A_62] : memref<16384x256xf32, #tpu.memory_space<hbm>> -> memref<64x256xf32, #tpu.memory_space<hbm>>
    %dma_wait3A_64 = arith.constant 0 : i32
    %dma_wait3A_65 = tpu.memref_slice %arg4[%add3A_18, %dma_wait3A_64] : memref<16384x256xf32, #tpu.memory_space<hbm>> -> memref<64x256xf32, #tpu.memory_space<hbm>>
    tpu.wait_dma2 semaphore(%arg8 : memref<!tpu.dma_semaphore, #tpu.memory_space<semaphore_mem>>) src(%arg7 : memref<64x256xf32, #tpu.memory_space<vmem>>) dst(%dma_wait3A_65 : memref<64x256xf32, #tpu.memory_space<hbm>>)
    %dma_wait3A_66 = arith.constant 0 : i32
    %dma_wait3A_67 = tpu.memref_slice %arg4[%add3A_24, %dma_wait3A_66] : memref<16384x256xf32, #tpu.memory_space<hbm>> -> memref<64x256xf32, #tpu.memory_space<hbm>>
    %dma_wait3A_68 = arith.constant 0 : i32
    %dma_wait3A_69 = tpu.memref_slice %arg4[%add3A_24, %dma_wait3A_68] : memref<16384x256xf32, #tpu.memory_space<hbm>> -> memref<64x256xf32, #tpu.memory_space<hbm>>
    tpu.wait_dma2 semaphore(%arg8 : memref<!tpu.dma_semaphore, #tpu.memory_space<semaphore_mem>>) src(%arg7 : memref<64x256xf32, #tpu.memory_space<vmem>>) dst(%dma_wait3A_69 : memref<64x256xf32, #tpu.memory_space<hbm>>)
    %dma_wait3A_70 = arith.constant 0 : i32
    %dma_wait3A_71 = tpu.memref_slice %arg4[%add3A_30, %dma_wait3A_70] : memref<16384x256xf32, #tpu.memory_space<hbm>> -> memref<64x256xf32, #tpu.memory_space<hbm>>
    %dma_wait3A_72 = arith.constant 0 : i32
    %dma_wait3A_73 = tpu.memref_slice %arg4[%add3A_30, %dma_wait3A_72] : memref<16384x256xf32, #tpu.memory_space<hbm>> -> memref<64x256xf32, #tpu.memory_space<hbm>>
    tpu.wait_dma2 semaphore(%arg8 : memref<!tpu.dma_semaphore, #tpu.memory_space<semaphore_mem>>) src(%arg7 : memref<64x256xf32, #tpu.memory_space<vmem>>) dst(%dma_wait3A_73 : memref<64x256xf32, #tpu.memory_space<hbm>>)
    %dma_wait3A_74 = arith.constant 0 : i32
    %dma_wait3A_75 = tpu.memref_slice %arg4[%add3A_36, %dma_wait3A_74] : memref<16384x256xf32, #tpu.memory_space<hbm>> -> memref<64x256xf32, #tpu.memory_space<hbm>>
    %dma_wait3A_76 = arith.constant 0 : i32
    %dma_wait3A_77 = tpu.memref_slice %arg4[%add3A_36, %dma_wait3A_76] : memref<16384x256xf32, #tpu.memory_space<hbm>> -> memref<64x256xf32, #tpu.memory_space<hbm>>
    tpu.wait_dma2 semaphore(%arg8 : memref<!tpu.dma_semaphore, #tpu.memory_space<semaphore_mem>>) src(%arg7 : memref<64x256xf32, #tpu.memory_space<vmem>>) dst(%dma_wait3A_77 : memref<64x256xf32, #tpu.memory_space<hbm>>)
    %dma_wait3A_78 = arith.constant 0 : i32
    %dma_wait3A_79 = tpu.memref_slice %arg4[%add3A_42, %dma_wait3A_78] : memref<16384x256xf32, #tpu.memory_space<hbm>> -> memref<64x256xf32, #tpu.memory_space<hbm>>
    %dma_wait3A_80 = arith.constant 0 : i32
    %dma_wait3A_81 = tpu.memref_slice %arg4[%add3A_42, %dma_wait3A_80] : memref<16384x256xf32, #tpu.memory_space<hbm>> -> memref<64x256xf32, #tpu.memory_space<hbm>>
    tpu.wait_dma2 semaphore(%arg8 : memref<!tpu.dma_semaphore, #tpu.memory_space<semaphore_mem>>) src(%arg7 : memref<64x256xf32, #tpu.memory_space<vmem>>) dst(%dma_wait3A_81 : memref<64x256xf32, #tpu.memory_space<hbm>>)
    %dma_wait3A_82 = arith.constant 0 : i32
    %dma_wait3A_83 = tpu.memref_slice %arg4[%add3A_48, %dma_wait3A_82] : memref<16384x256xf32, #tpu.memory_space<hbm>> -> memref<64x256xf32, #tpu.memory_space<hbm>>
    %dma_wait3A_84 = arith.constant 0 : i32
    %dma_wait3A_85 = tpu.memref_slice %arg4[%add3A_48, %dma_wait3A_84] : memref<16384x256xf32, #tpu.memory_space<hbm>> -> memref<64x256xf32, #tpu.memory_space<hbm>>
    tpu.wait_dma2 semaphore(%arg8 : memref<!tpu.dma_semaphore, #tpu.memory_space<semaphore_mem>>) src(%arg7 : memref<64x256xf32, #tpu.memory_space<vmem>>) dst(%dma_wait3A_85 : memref<64x256xf32, #tpu.memory_space<hbm>>)
    %dma_wait3A_86 = arith.constant 0 : i32
    %dma_wait3A_87 = tpu.memref_slice %arg4[%add3A_54, %dma_wait3A_86] : memref<16384x256xf32, #tpu.memory_space<hbm>> -> memref<64x256xf32, #tpu.memory_space<hbm>>
    %dma_wait3A_88 = arith.constant 0 : i32
    %dma_wait3A_89 = tpu.memref_slice %arg4[%add3A_54, %dma_wait3A_88] : memref<16384x256xf32, #tpu.memory_space<hbm>> -> memref<64x256xf32, #tpu.memory_space<hbm>>
    tpu.wait_dma2 semaphore(%arg8 : memref<!tpu.dma_semaphore, #tpu.memory_space<semaphore_mem>>) src(%arg7 : memref<64x256xf32, #tpu.memory_space<vmem>>) dst(%dma_wait3A_89 : memref<64x256xf32, #tpu.memory_space<hbm>>)
    return
  }
}

</mosaic_0001>

<sc_bundles>
// kernel: kernel.3.cloned.1.call-start
scs
__scs_entry_jumppad:
0x0: {  	(pc) =	sbr.rel $0x88, $3  }
0x1: {  	(tag) =	ssettag $0x0;
	lr =	simm.s32 $0x1  }
0x2: {  	[smem:$0x3F9F] =	sst lr;
	_ =	strace $0xD0000000  }
0x3: {  	_ = 	snop  }
0x4: {  	_ = 	snop  }
0x5: {  	_ = 	snop  }
0x6: {  	_ = 	snop  }
0x7: {  	_ = 	snop  }
__scs_overlays_trampoline_lowered:
0x8: {  	[smem:$0x3FAE] =	sst s0  }
0x9: {  	[smem:$0x3FAF] =	sst s1  }
0xa: {  	[smem:$0x3FB0] =	sst s2  }
0xb: {  	[smem:$0x3FB1] =	sst s3  }
0xc: {  	[smem:$0x3FB2] =	sst s4  }
0xd: {  	[smem:$0x3FB3] =	sst s5  }
0xe: {  	[smem:$0x3FB4] =	sst s6  }
0xf: {  	[smem:$0x3FB5] =	sst s7  }
0x10: {  	[smem:$0x3FB6] =	sst s8  }
0x11: {  	[smem:$0x3FB7] =	sst s9;
	s0 =	simm.s32 @!p0 $0x0  }
0x12: {  	s1 =	sld [smem:$0x3F9D];
	s0 =	simm.s32 @p0 $0x1  }
0x13: {  	[smem:$0x3FB8] =	sst s0;
	s0 =	simm.s32 @!p1 $0x0  }
0x14: {  	s2 =	sld [smem:$0x3F9C];
	s0 =	simm.s32 @p1 $0x1  }
0x15: {  	[smem:$0x3FB9] =	sst s0;
	s0 =	simm.s32 @!p2 $0x0  }
0x16: {  	s3 =	sld [smem:$0x3FDB];
	s0 =	simm.s32 @p2 $0x1  }
0x17: {  	s4 =	simm.s32 $0x1BF5;
	[smem:$0x3FBB] =	sst s0  }
0x18: {  	s0 =	sld [smem:$0x3F9E];
	_ =	swait.ge [sflag:s4], $0x0  }
0x19: {  	s7 =	sld [smem:$0x3F9F]  }
0x1a: {  	s8 =	sadd.s32 $0xFFFFE003, lr  }
0x1b: {  	s9 =	sadd.s32 $0xFFFFFEF7, lr;
	s5 =	simm.s32 $0xFFFFFFFF;
	p2 =	slt.u32 s8, $0xFFFFF086  }
0x1c: {  	p1 =	slt.u32 s9, $0xF7A;
	s5 =	simm.s32 @!p2 $0x0  }
0x1d: {  	s5 =	simm.s32 @p1 $0x1;
	p0 =	seq.s32 s7, s2  }
0x1e: {  	s7 =	smul.u32 @!p0 $0xF7A, s2;
	p2 =	seq.s32 @!p0 s5, $0x0  }
0x1f: {  	s9 =	smul.u32 $0xF7A, s1;
	s8 =	simm.s32 @!p0 $0x1BF5;
	p2 =	por !p2, p0  }
0x20: {  	[sflag:s8] =	ssyncset.s32 @!p0 $0xFFFFF086;
	s6 =	sadd.s32 @!p0 s3, s7;
	s7 =	simm.s32 @!p0 $0x108  }
0x21: {  	s3 =	sadd.s32 s3, s9;
	s6 =	sadd.s32 @!p0 $0x88, s6;
	s7 =	simm.s32 @p2 $0x1082  }
0x22: {  	[simem:s7], [sflag:s8] =	dma.local @!p0 [hbm:s6], $0xF7A  }
0x23: {  	s9 =	sor.u32 $0xD0000000, s2;
	s6 =	simm.s32 $0x108;
	_ =	swait.ge @!p0 [sflag:s8], $0x0  }
0x24: {  	s3 =	sadd.s32 $0x88, s3;
	s6 =	simm.s32 @!p1 $0x1082;
	[sflag:s4] =	ssyncset.s32 $0xFFFFF086  }
0x25: {  	[simem:s6], [sflag:s4] =	dma.local [hbm:s3], $0xF7A  }
0x26: {  	[smem:$0x3F9F] =	sst s1;
	(tag) =	ssettag s2;
	_ =	strace s9  }
0x27: {  	s1 =	sld [smem:$0x3FAF]  }
0x28: {  	s2 =	sld [smem:$0x3FB0]  }
0x29: {  	s4 =	sld [smem:$0x3FB2]  }
0x2a: {  	p0 =	seq.s32 s5, $0x0;
	s5 =	sld [smem:$0x3FB3]  }
0x2b: {  	s6 =	sld [smem:$0x3FB4]  }
0x2c: {  	s7 =	sld [smem:$0x3FB5]  }
0x2d: {  	s3 =	simm.s32 $0x108;
	s8 =	sld [smem:$0x3FB6]  }
0x2e: {  	s3 =	simm.s32 @!p0 $0x1082;
	s9 =	sld [smem:$0x3FB7]  }
0x2f: {  	lr =	sadd.s32 s0, s3;
	s0 =	sld [smem:$0x3FAE]  }
0x30: {  	s3 =	sld [smem:$0x3FB1]  }
0x31: {  	[smem:$0x3FBA] =	sst s10  }
0x32: {  	s10 =	sld [smem:$0x3FB8];
	_ =	sdelay $0x3  }
0x33: {  	p0 =	seq.s32 s10, $0x1;
	s10 =	sld [smem:$0x3FBA];
	_ =	sdelay $0x3  }
0x34: {  	[smem:$0x3FBA] =	sst s10  }
0x35: {  	s10 =	sld [smem:$0x3FB9];
	_ =	sdelay $0x3  }
0x36: {  	p1 =	seq.s32 s10, $0x1;
	s10 =	sld [smem:$0x3FBA];
	_ =	sdelay $0x3  }
0x37: {  	[smem:$0x3FBA] =	sst s10  }
0x38: {  	s10 =	sld [smem:$0x3FBB]  }
0x39: {  	_ = 	snop;
	(pc) =	sbr.ind lr, $3  }
0x3a: {  	_ = 	snop  }
0x3b: {  	_ = 	snop  }
0x3c: {  	p2 =	seq.s32 s10, $0x1;
	s10 =	sld [smem:$0x3FBA]  }
0x3d: {  	_ =	shalt  }
0x3e: {  	_ =	shalt  }
0x3f: {  	_ =	shalt  }
0x40: {  	_ =	shalt  }
0x41: {  	_ =	shalt  }
0x42: {  	_ =	shalt  }
0x43: {  	_ =	shalt  }
0x44: {  	_ =	shalt  }
0x45: {  	_ =	shalt  }
0x46: {  	_ =	shalt  }
0x47: {  	_ =	shalt  }
0x48: {  	_ =	shalt  }
0x49: {  	_ =	shalt  }
0x4a: {  	_ =	shalt  }
0x4b: {  	_ =	shalt  }
0x4c: {  	_ =	shalt  }
0x4d: {  	_ =	shalt  }
0x4e: {  	_ =	shalt  }
0x4f: {  	_ =	shalt  }
0x50: {  	_ =	shalt  }
0x51: {  	_ =	shalt  }
0x52: {  	_ =	shalt  }
0x53: {  	_ =	shalt  }
0x54: {  	_ =	shalt  }
0x55: {  	_ =	shalt  }
0x56: {  	_ =	shalt  }
0x57: {  	_ =	shalt  }
0x58: {  	_ =	shalt  }
0x59: {  	_ =	shalt  }
0x5a: {  	_ =	shalt  }
0x5b: {  	_ =	shalt  }
0x5c: {  	_ =	shalt  }
0x5d: {  	_ =	shalt  }
0x5e: {  	_ =	shalt  }
0x5f: {  	_ =	shalt  }
0x60: {  	_ =	shalt  }
0x61: {  	_ =	shalt  }
0x62: {  	_ =	shalt  }
0x63: {  	_ =	shalt  }
0x64: {  	_ =	shalt  }
0x65: {  	_ =	shalt  }
0x66: {  	_ =	shalt  }
0x67: {  	_ =	shalt  }
0x68: {  	_ =	shalt  }
0x69: {  	_ =	shalt  }
0x6a: {  	_ =	shalt  }
0x6b: {  	_ =	shalt  }
0x6c: {  	_ =	shalt  }
0x6d: {  	_ =	shalt  }
0x6e: {  	_ =	shalt  }
0x6f: {  	_ =	shalt  }
0x70: {  	_ =	shalt  }
0x71: {  	_ =	shalt  }
0x72: {  	_ =	shalt  }
0x73: {  	_ =	shalt  }
0x74: {  	_ =	shalt  }
0x75: {  	_ =	shalt  }
0x76: {  	_ =	shalt  }
0x77: {  	_ =	shalt  }
0x78: {  	_ =	shalt  }
0x79: {  	_ =	shalt  }
0x7a: {  	_ =	shalt  }
0x7b: {  	_ =	shalt  }
0x7c: {  	_ =	shalt  }
0x7d: {  	_ =	shalt  }
0x7e: {  	_ =	shalt  }
0x7f: {  	_ =	shalt  }
0x80: {  	_ =	shalt  }
0x81: {  	_ =	shalt  }
0x82: {  	_ =	shalt  }
0x83: {  	_ =	shalt  }
0x84: {  	_ =	shalt  }
0x85: {  	_ =	shalt  }
0x86: {  	_ =	shalt  }
0x87: {  	_ =	shalt  }
.Lfunc_end0:
.L_simem_size_0:
called_computation_lowered:
.L_overlay_start_0:
0x88: {  	s2 =	sld [smem:$0x3FD9]  }
0x89: {  	s3 =	sld [smem:$0x3FFE];
	_ =	sdelay $0x1  }
0x8a: {  	s1 =	srdreg.scid  }
0x8b: {  	s0 =	sand.u32 $0x1, s1  }
0x8c: {  	s18 =	sshll.u32 s0, $0xA;
	s2 =	sadd.s32 s3, s2  }
0x8d: {  	s2 =	sadd.s32 s2, s18  }
0x8e: {  	[smem:$0x3FC6] =	sst s2  }
0x8f: {  	_ = 	snop  }
0x90: {  	s2 =	sld [smem:$0x3FC9]  }
0x91: {  	s19 =	sld [smem:$0x3FC8]  }
0x92: {  	s4 =	sld [smem:$0x3FD0];
	(tm) =	ssettm $0x1  }
0x93: {  	s5 =	sld [smem:$0x3FFB];
	_ =	sdelay $0x3  }
0x94: {  	_ =	strace s5  }
0x95: {  	s5 =	sld [smem:$0x3FFC];
	_ =	sdelay $0x3  }
0x96: {  	_ =	strace s5  }
0x97: {  	s5 =	sld [smem:$0x3FFD];
	_ =	sdelay $0x3  }
0x98: {  	_ =	strace s5  }
0x99: {  	_ =	strace $0x8FFFFFFF  }
0x9a: {  	s20 =	sld [smem:$0x3FDB];
	_ =	sdelay $0x1  }
0x9b: {  	s6 =	simm.s32 $_scs_section_size  }
0x9c: {  	s7 =	simm.s32 $_size__tile_overlayer_lowered;
	s8 =	simm.s32 $_tile_overlayer_lowered  }
0x9d: {  	s23 =	simm.s32 $0x1BFF;
	s22 =	sshll.u32 s8, $0x1;
	s5 =	sadd.s32 s6, s20  }
0x9e: {  	s9 =	simm.s32 $0x0;
	s21 =	sshll.u32 s7, $0x1;
	s7 =	sadd.s32 s22, s5  }
0x9f: {  	[timem:s9], [sflag:s23] =	dma.local [hbm:s7], s21  }
0xa0: {  	_ =	swait.ge [sflag:s23], s21  }
0xa1: {  	s6 =	ssub.s32 $0x0, s21;
	[sflag:s23] =	ssyncset.done $0x0  }
0xa2: {  	[sflag:s23] =	ssyncadd.s32 s6;
	_ =	sdelay $0x1  }
0xa3: {  	s24 =	simm.s32 $0x1B8B  }
0xa4: {  	_ =	swait.ge [sflag:s24], $0x1  }
0xa5: {  	[sflag:s24] =	ssyncset.done $0x0  }
0xa6: {  	s25 =	simm.s32 $0x1B8E;
	[sflag:s24] =	ssyncadd.s32 $0xFFFFFFFF  }
0xa7: {  	s26 =	simm.s32 $execute0_lowered;
	[smem:$0x3FD2] =	sst s25  }
0xa8: {  	s6 =	sshll.u32 s26, $0x1;
	_ =	strace $0x80000046;
	[dreg:$0x1] =	wrdreg $0xFFFFFFFF  }
0xa9: {  	s28 =	simm.s32 $_size_execute0_lowered;
	s5 =	sadd.s32 s5, s6;
	[dreg:$0x0] =	wrdreg $0x0  }
0xaa: {  	s6 =	sshll.u32 s28, $0x1;
	[dreg:$0x2] =	wrdreg s5  }
0xab: {  	[dreg:$0x3] =	wrdreg s6  }
0xac: {  	[dreg:$0x4] =	wrdreg $0xC0  }
0xad: {  	_ =	task [dreg:s9], $0x5FFFF  }
0xae: {  	[dreg:$0x1] =	wrdreg $0xFFFFFFFF  }
0xaf: {  	[dreg:$0x0] =	wrdreg $0x60  }
0xb0: {  	[dreg:$0x2] =	wrdreg s2  }
0xb1: {  	[dreg:$0x3] =	wrdreg s19  }
0xb2: {  	[dreg:$0x4] =	wrdreg s4  }
0xb3: {  	[dreg:$0x5] =	wrdreg $0x9  }
0xb4: {  	_ =	task.clear_ibuf [dreg:s9], $0x6FFFF;
	_ =	strace $0x90000046  }
0xb5: {  	s29 =	simm.s32 $0x9;
	_ =	strace $0x80000048  }
0xb6: {  	_ =	swait.ge [sflag:s29], $0x1  }
0xb7: {  	[sflag:s29] =	ssyncadd.s32 $0xFFFFFFFF  }
0xb8: {  	_ =	strace $0x90000048  }
0xb9: {  	_ =	sfence  }
0xba: {  	s30 =	sld [smem:$0x0];
	_ =	sdelay $0x2  }
0xbb: {  	s31 =	sshll.u32 s1, $0xD;
	s1 =	sshrl.u32 s1, $0x2  }
0xbc: {  	s3 =	sand.u32 $0x4000, s31;
	s1 =	sadd.s32 s1, s30  }
0xbd: {  	s0 =	sor.u32 s3, s0;
	s1 =	sshll.u32 s1, $0x11  }
0xbe: {  	s0 =	sor.u32 s1, s0  }
0xbf: {  	s0 =	sadd.s32 $0x8F2B, s0  }
0xc0: {  	[sflag:s0] =	ssyncadd.remote.s32 $0x1  }
0xc1: {  	_ =	sfence.sel $0xFFFF  }
0xc2: {  	[dreg:$0x0] =	wrdreg $0xFFFFFFFF;
	(pc) =	sbr.abs _section_cstart, $3  }
0xc3: {  	[dreg:$0x1] =	wrdreg $0xFFFFFFFF  }
0xc4: {  	_ =	task.clear_ibuf [dreg:s9], $0x2FFFF;
	_ =	strace $0x9FFFFFFF  }
0xc5: {  	(tm) =	ssettm $0x7FFFFFFF  }
tec
execute0_lowered:
.L_overlay_start_1:
0x0: {  	(tag) =	ssettag $0x1  }
0x1: {  	s2 =	rddreg [dreg:$0x0]  }
0x2: {  	s3 =	rddreg [dreg:$0x1];
	s0 =	srdreg.scid  }
0x3: {  	s5 =	rddreg [dreg:$0x2];
	s1 =	stileid.u32;
	s4 =	simm.s32 $0x0  }
0x4: {  	s14 =	simm.s32 $0x800;
	s15 =	simm.s32 $0x2;
	s16 =	simm.s32 $0xC00  }
0x5: {  	s17 =	simm.s32 $0x1;
	s18 =	simm.s32 $0x0;
	s6 =	sand.u32 $0x1, s0  }
0x6: {  	s0 =	rddreg [dreg:$0x3];
	s7 =	sshll.u32 s1, $0xF;
	s8 =	sshll.u32 s6, $0xE  }
0x7: {  	[smem:$0x7FF] =	sst s4;
	s6 =	ssub.s32 $0x2, s6;
	s7 =	sor.u32 s8, s7  }
0x8: {  	_ =	strace $0x80000047;
	s31 =	sshrl.u32 s6, $0x1;
	s5 =	sadd.s32 s5, s7  }
0x9: {  	s13 =	ssub.s32 s6, s31;
	s6 =	sadd.s32 $0x800, s5;
	s7 =	sadd.s32 $0x1000, s5  }
0xa: {  	s8 =	sadd.s32 $0x1800, s5;
	s9 =	sadd.s32 $0x2000, s5;
	s10 =	sadd.s32 $0x2800, s5  }
0xb: {  	s11 =	sadd.s32 $0x3000, s5;
	s12 =	sadd.s32 $0x3800, s5;
	s13 =	smax.u32 s13, $0x1  }
.LBB2_1:
0xc: {  	[tilespmem:s4], [sflag:$0x2] =	stream.linear.gather [hbm4b:s2+s4], $0x800, $0x38;
	[tilespmem:$0x4C00] =	vst v63  }
0xd: {  	_ = 	snop  }
0xe: {  	[tilespmem:s14], [sflag:$0x2] =	stream.linear.gather [hbm4b:s3+s4], $0x400, $0x38;
	[tilespmem:$0x4C00] =	vst v63  }
0xf: {  	_ =	swait.ge [sflag:s15], $0x800  }
0x10: {  	[sflag:s15] =	ssyncset.done $0x0  }
0x11: {  	[sflag:s15] =	ssyncadd.s32 $0xFFFFF800  }
0x12: {  	s19 =	simm.s32 $0x0;
	s20 =	simm.s32 $0x0;
	_ =	swait.ge [sflag:s15], $0x400  }
0x13: {  	s21 =	sand.u32 $0x70, s4;
	s19 =	sand.u32 $0x3FFFFE00, s19;
	[sflag:s15] =	ssyncset.done $0x0  }
0x14: {  	s20 =	sand.u32 $0xFFFFFC00, s20;
	s19 =	sor.u32 s21, s19;
	[sflag:s15] =	ssyncadd.s32 $0xFFFFFC00  }
0x15: {  	s21 =	sor.u32 s21, s20;
	v0 =	vld [tilespmem:s19+$0x800]  }
0x16: {  	v1 =	vld [tilespmem:s21+$0x0];
	_ =	sdelay $0x4  }
0x17: {  	v0 =	vadd.f32 v0, v1  }
0x18: {  	s22 =	sadd.s32 $0x0, s20  }
0x19: {  	s20 =	sor.u32 $0x80, s22;
	[tilespmem:s21+$0xC00] =	vst v0  }
0x1a: {  	v0 =	vld [tilespmem:s20+$0x0]  }
0x1b: {  	v58 =	vld [tilespmem:s19+$0x880];
	_ =	sdelay $0x4  }
0x1c: {  	v0 =	vadd.f32 v58, v0;
	_ =	sdelay $0x1  }
0x1d: {  	[tilespmem:s20+$0xC00] =	vst v0  }
0x1e: {  	v0 =	vld [tilespmem:s21+$0x100]  }
0x1f: {  	v59 =	vld [tilespmem:s19+$0x880];
	_ =	sdelay $0x4  }
0x20: {  	v0 =	vadd.f32 v59, v0;
	_ =	sdelay $0x1  }
0x21: {  	s30 =	sor.u32 $0x180, s22;
	[tilespmem:s21+$0xD00] =	vst v0  }
0x22: {  	v0 =	vld [tilespmem:s30+$0x0]  }
0x23: {  	v60 =	vld [tilespmem:s19+$0x880];
	_ =	sdelay $0x4  }
0x24: {  	v0 =	vadd.f32 v60, v0;
	_ =	sdelay $0x1  }
0x25: {  	[tilespmem:s30+$0xC00] =	vst v0  }
0x26: {  	v0 =	vld [tilespmem:s21+$0x200]  }
0x27: {  	v61 =	vld [tilespmem:s19+$0x900];
	_ =	sdelay $0x4  }
0x28: {  	v0 =	vadd.f32 v61, v0;
	_ =	sdelay $0x1  }
0x29: {  	s31 =	sor.u32 $0x280, s22;
	[tilespmem:s21+$0xE00] =	vst v0  }
0x2a: {  	v0 =	vld [tilespmem:s31+$0x0]  }
0x2b: {  	v62 =	vld [tilespmem:s19+$0x900];
	_ =	sdelay $0x4  }
0x2c: {  	v0 =	vadd.f32 v62, v0;
	_ =	sdelay $0x1  }
0x2d: {  	[tilespmem:s31+$0xC00] =	vst v0  }
0x2e: {  	v0 =	vld [tilespmem:s21+$0x300]  }
0x2f: {  	v63 =	vld [tilespmem:s19+$0x900];
	_ =	sdelay $0x4  }
0x30: {  	v0 =	vadd.f32 v63, v0;
	_ =	sdelay $0x1  }
0x31: {  	s24 =	sor.u32 $0x380, s22;
	s20 =	simm.s32 $0x1;
	[tilespmem:s21+$0xF00] =	vst v0;
	s21 =	simm.s32 $0x0  }
.LBB2_2:
0x32: {  	p0 =	sne.s32 s20, $0xF  }
0x33: {  	v0 =	vld [tilespmem:s24+$0x0];
	s21 =	sadd.s32 $0x10, s21;
	s22 =	smov.u32 s20;
	s20 =	sadd.s32 $0x1, s20  }
0x34: {  	v1 =	vld [tilespmem:s19+$0x980];
	_ =	sdelay $0x4  }
0x35: {  	s19 =	sshll.u32 s22, $0x7;
	s22 =	sshll.u32 s22, $0x6;
	v0 =	vadd.f32 v1, v0  }
0x36: {  	s25 =	sand.u32 $0x70, s21;
	s19 =	sand.u32 $0xFFFFFC00, s19;
	s26 =	sand.u32 $0x3FFFFE00, s22  }
0x37: {  	s22 =	sadd.s32 s19, s21;
	s23 =	sor.u32 s25, s19;
	s19 =	sor.u32 s25, s26;
	[tilespmem:s24+$0xC00] =	vst v0  }
0x38: {  	v0 =	vld [tilespmem:s19+$0x800]  }
0x39: {  	v1 =	vld [tilespmem:s23+$0x0];
	_ =	sdelay $0x4  }
0x3a: {  	v0 =	vadd.f32 v0, v1;
	_ =	sdelay $0x1  }
0x3b: {  	s24 =	sor.u32 $0x80, s22;
	[tilespmem:s23+$0xC00] =	vst v0  }
0x3c: {  	v0 =	vld [tilespmem:s24+$0x0]  }
0x3d: {  	v1 =	vld [tilespmem:s19+$0x880];
	_ =	sdelay $0x4  }
0x3e: {  	v0 =	vadd.f32 v1, v0;
	_ =	sdelay $0x1  }
0x3f: {  	[tilespmem:s24+$0xC00] =	vst v0  }
0x40: {  	v0 =	vld [tilespmem:s23+$0x100]  }
0x41: {  	v1 =	vld [tilespmem:s19+$0x880];
	_ =	sdelay $0x4  }
0x42: {  	v0 =	vadd.f32 v1, v0;
	_ =	sdelay $0x1  }
0x43: {  	s24 =	sor.u32 $0x180, s22;
	[tilespmem:s23+$0xD00] =	vst v0  }
0x44: {  	v0 =	vld [tilespmem:s24+$0x0]  }
0x45: {  	v1 =	vld [tilespmem:s19+$0x880];
	_ =	sdelay $0x4  }
0x46: {  	v0 =	vadd.f32 v1, v0;
	_ =	sdelay $0x1  }
0x47: {  	[tilespmem:s24+$0xC00] =	vst v0  }
0x48: {  	v0 =	vld [tilespmem:s23+$0x200]  }
0x49: {  	v1 =	vld [tilespmem:s19+$0x900];
	_ =	sdelay $0x4  }
0x4a: {  	v0 =	vadd.f32 v1, v0;
	_ =	sdelay $0x1  }
0x4b: {  	s24 =	sor.u32 $0x280, s22;
	[tilespmem:s23+$0xE00] =	vst v0  }
0x4c: {  	v0 =	vld [tilespmem:s24+$0x0]  }
0x4d: {  	v1 =	vld [tilespmem:s19+$0x900];
	_ =	sdelay $0x4  }
0x4e: {  	v0 =	vadd.f32 v1, v0;
	_ =	sdelay $0x1  }
0x4f: {  	[tilespmem:s24+$0xC00] =	vst v0  }
0x50: {  	v0 =	vld [tilespmem:s23+$0x300]  }
0x51: {  	v1 =	vld [tilespmem:s19+$0x900];
	_ =	sdelay $0x2  }
.Ltmp0:
0x52: {  	(pc) =	sbr.rel @p0 .LBB2_2-.Ltmp0, $3  }
0x53: {  	_ = 	snop  }
0x54: {  	v0 =	vadd.f32 v1, v0;
	_ =	sdelay $0x1  }
0x55: {  	s24 =	sor.u32 $0x380, s22;
	[tilespmem:s23+$0xF00] =	vst v0  }
0x56: {  	v0 =	vld [tilespmem:s24+$0x0]  }
0x57: {  	v1 =	vld [tilespmem:s19+$0x980];
	_ =	sdelay $0x4  }
0x58: {  	s20 =	simm.s32 $0x0;
	v0 =	vadd.f32 v1, v0  }
0x59: {  	s31 =	sand.u32 $0x70, s20;
	s21 =	sand.u32 $0x400, s20  }
0x5a: {  	s19 =	sor.u32 s31, s21;
	[tilespmem:s24+$0xC00] =	vst v0  }
0x5b: {  	v6 =	vld [tilespmem:s19+$0xC00]  }
0x5c: {  	v7 =	vld [tilespmem:s19+$0xC80]  }
0x5d: {  	v3 =	vld [tilespmem:s19+$0xD00]  }
0x5e: {  	v2 =	vld [tilespmem:s19+$0xD80]  }
0x5f: {  	s20 =	sor.u32 s20, s20;
	v1 =	vld [tilespmem:s19+$0xE00]  }
0x60: {  	s20 =	sor.u32 $0x380, s20;
	v4 =	vld [tilespmem:s19+$0xE80]  }
0x61: {  	v0 =	vld [tilespmem:s20+$0xC00];
	[tilespmem:s19+$0x1400] =	vst v6  }
0x62: {  	v5 =	vld [tilespmem:s19+$0xF00];
	[tilespmem:s19+$0x1480] =	vst v7  }
0x63: {  	[tilespmem:s19+$0x1500] =	vst v3  }
0x64: {  	[tilespmem:s19+$0x1580] =	vst v2  }
0x65: {  	[tilespmem:s19+$0x1600] =	vst v1  }
0x66: {  	[tilespmem:s19+$0x1680] =	vst v4  }
0x67: {  	[tilespmem:s19+$0x1700] =	vst v5  }
0x68: {  	[tilespmem:s19+$0x1780] =	vst v0  }
0x69: {  	[tilespmem:s19+$0x1C00] =	vst v6  }
0x6a: {  	[tilespmem:s19+$0x1C80] =	vst v7  }
0x6b: {  	[tilespmem:s19+$0x1D00] =	vst v3  }
0x6c: {  	[tilespmem:s19+$0x1D80] =	vst v2  }
0x6d: {  	[tilespmem:s19+$0x1E00] =	vst v1  }
0x6e: {  	[tilespmem:s19+$0x1E80] =	vst v4  }
0x6f: {  	[tilespmem:s19+$0x1F00] =	vst v5  }
0x70: {  	[tilespmem:s19+$0x1F80] =	vst v0  }
0x71: {  	[tilespmem:s19+$0x2400] =	vst v6  }
0x72: {  	[tilespmem:s19+$0x2480] =	vst v7  }
0x73: {  	[tilespmem:s19+$0x2500] =	vst v3  }
0x74: {  	[tilespmem:s19+$0x2580] =	vst v2  }
0x75: {  	[tilespmem:s19+$0x2600] =	vst v1  }
0x76: {  	[tilespmem:s19+$0x2680] =	vst v4  }
0x77: {  	[tilespmem:s19+$0x2700] =	vst v5  }
0x78: {  	[tilespmem:s19+$0x2780] =	vst v0  }
0x79: {  	[tilespmem:s19+$0x2C00] =	vst v6  }
0x7a: {  	[tilespmem:s19+$0x2C80] =	vst v7  }
0x7b: {  	[tilespmem:s19+$0x2D00] =	vst v3  }
0x7c: {  	[tilespmem:s19+$0x2D80] =	vst v2  }
0x7d: {  	[tilespmem:s19+$0x2E00] =	vst v1  }
0x7e: {  	[tilespmem:s19+$0x2E80] =	vst v4  }
0x7f: {  	[tilespmem:s19+$0x2F00] =	vst v5  }
0x80: {  	[tilespmem:s19+$0x2F80] =	vst v0  }
0x81: {  	[tilespmem:s19+$0x3400] =	vst v6  }
0x82: {  	[tilespmem:s19+$0x3480] =	vst v7  }
0x83: {  	[tilespmem:s19+$0x3500] =	vst v3  }
0x84: {  	[tilespmem:s19+$0x3580] =	vst v2  }
0x85: {  	[tilespmem:s19+$0x3600] =	vst v1  }
0x86: {  	[tilespmem:s19+$0x3680] =	vst v4  }
0x87: {  	[tilespmem:s19+$0x3700] =	vst v5  }
0x88: {  	[tilespmem:s19+$0x3780] =	vst v0  }
0x89: {  	[tilespmem:s19+$0x3C00] =	vst v6  }
0x8a: {  	[tilespmem:s19+$0x3C80] =	vst v7  }
0x8b: {  	[tilespmem:s19+$0x3D00] =	vst v3  }
0x8c: {  	[tilespmem:s19+$0x3D80] =	vst v2  }
0x8d: {  	[tilespmem:s19+$0x3E00] =	vst v1  }
0x8e: {  	[tilespmem:s19+$0x3E80] =	vst v4  }
0x8f: {  	[tilespmem:s19+$0x3F00] =	vst v5  }
0x90: {  	s21 =	simm.s32 $0x80;
	s20 =	simm.s32 $0x10;
	[tilespmem:s19+$0x3F80] =	vst v0  }
0x91: {  	s23 =	sand.u32 $0x400, s21;
	s22 =	sand.u32 $0x70, s20;
	[tilespmem:s19+$0x4400] =	vst v6  }
0x92: {  	s23 =	sor.u32 s22, s23;
	s22 =	simm.s32 $0x20;
	[tilespmem:s19+$0x4480] =	vst v7  }
.LBB2_4:
0x93: {  	p0 =	sne.s32 s22, $0xF0;
	v6 =	vld [tilespmem:s23+$0xC00];
	[tilespmem:s19+$0x4500] =	vst v3  }
0x94: {  	v7 =	vld [tilespmem:s23+$0xC80];
	[tilespmem:s19+$0x4580] =	vst v2  }
0x95: {  	v3 =	vld [tilespmem:s23+$0xD00];
	[tilespmem:s19+$0x4600] =	vst v1  }
0x96: {  	v2 =	vld [tilespmem:s23+$0xD80];
	[tilespmem:s19+$0x4680] =	vst v4  }
0x97: {  	s24 =	sor.u32 s21, s20;
	s20 =	smov.u32 s22;
	v1 =	vld [tilespmem:s23+$0xE00];
	[tilespmem:s19+$0x4700] =	vst v5  }
0x98: {  	s24 =	sor.u32 $0x380, s24;
	v4 =	vld [tilespmem:s23+$0xE80];
	[tilespmem:s19+$0x4780] =	vst v0;
	s19 =	smov.u32 s23  }
0x99: {  	v0 =	vld [tilespmem:s24+$0xC00];
	[tilespmem:s19+$0x1400] =	vst v6  }
0x9a: {  	v5 =	vld [tilespmem:s19+$0xF00];
	[tilespmem:s19+$0x1480] =	vst v7  }
0x9b: {  	[tilespmem:s19+$0x1500] =	vst v3  }
0x9c: {  	[tilespmem:s19+$0x1580] =	vst v2  }
0x9d: {  	[tilespmem:s19+$0x1600] =	vst v1  }
0x9e: {  	[tilespmem:s19+$0x1680] =	vst v4  }
0x9f: {  	[tilespmem:s19+$0x1700] =	vst v5  }
0xa0: {  	[tilespmem:s19+$0x1780] =	vst v0  }
0xa1: {  	[tilespmem:s19+$0x1C00] =	vst v6  }
0xa2: {  	[tilespmem:s19+$0x1C80] =	vst v7  }
0xa3: {  	[tilespmem:s19+$0x1D00] =	vst v3  }
0xa4: {  	[tilespmem:s19+$0x1D80] =	vst v2  }
0xa5: {  	[tilespmem:s19+$0x1E00] =	vst v1  }
0xa6: {  	[tilespmem:s19+$0x1E80] =	vst v4  }
0xa7: {  	[tilespmem:s19+$0x1F00] =	vst v5  }
0xa8: {  	[tilespmem:s19+$0x1F80] =	vst v0  }
0xa9: {  	[tilespmem:s19+$0x2400] =	vst v6  }
0xaa: {  	[tilespmem:s19+$0x2480] =	vst v7  }
0xab: {  	[tilespmem:s19+$0x2500] =	vst v3  }
0xac: {  	[tilespmem:s19+$0x2580] =	vst v2  }
0xad: {  	[tilespmem:s19+$0x2600] =	vst v1  }
0xae: {  	[tilespmem:s19+$0x2680] =	vst v4  }
0xaf: {  	[tilespmem:s19+$0x2700] =	vst v5  }
0xb0: {  	[tilespmem:s19+$0x2780] =	vst v0  }
0xb1: {  	[tilespmem:s19+$0x2C00] =	vst v6  }
0xb2: {  	[tilespmem:s19+$0x2C80] =	vst v7  }
0xb3: {  	[tilespmem:s19+$0x2D00] =	vst v3  }
0xb4: {  	[tilespmem:s19+$0x2D80] =	vst v2  }
0xb5: {  	[tilespmem:s19+$0x2E00] =	vst v1  }
0xb6: {  	[tilespmem:s19+$0x2E80] =	vst v4  }
0xb7: {  	[tilespmem:s19+$0x2F00] =	vst v5  }
0xb8: {  	[tilespmem:s19+$0x2F80] =	vst v0  }
0xb9: {  	[tilespmem:s19+$0x3400] =	vst v6  }
0xba: {  	[tilespmem:s19+$0x3480] =	vst v7  }
0xbb: {  	[tilespmem:s19+$0x3500] =	vst v3  }
0xbc: {  	[tilespmem:s19+$0x3580] =	vst v2  }
0xbd: {  	[tilespmem:s19+$0x3600] =	vst v1  }
0xbe: {  	[tilespmem:s19+$0x3680] =	vst v4  }
0xbf: {  	[tilespmem:s19+$0x3700] =	vst v5  }
0xc0: {  	[tilespmem:s19+$0x3780] =	vst v0  }
0xc1: {  	[tilespmem:s19+$0x3C00] =	vst v6  }
0xc2: {  	[tilespmem:s19+$0x3C80] =	vst v7  }
0xc3: {  	[tilespmem:s19+$0x3D00] =	vst v3  }
0xc4: {  	[tilespmem:s19+$0x3D80] =	vst v2  }
0xc5: {  	[tilespmem:s19+$0x3E00] =	vst v1  }
.Ltmp1:
0xc6: {  	[tilespmem:s19+$0x3E80] =	vst v4;
	(pc) =	sbr.rel @p0 .LBB2_4-.Ltmp1, $4  }
0xc7: {  	[tilespmem:s19+$0x3F00] =	vst v5  }
0xc8: {  	s21 =	sadd.s32 $0x80, s21;
	[tilespmem:s19+$0x3F80] =	vst v0  }
0xc9: {  	s23 =	sand.u32 $0x70, s22;
	s24 =	sand.u32 $0x400, s21;
	[tilespmem:s19+$0x4400] =	vst v6  }
0xca: {  	s22 =	sadd.s32 $0x10, s22;
	s23 =	sor.u32 s23, s24;
	[tilespmem:s19+$0x4480] =	vst v7  }
0xcb: {  	v6 =	vld [tilespmem:s23+$0xC00];
	[tilespmem:s19+$0x4500] =	vst v3  }
0xcc: {  	v3 =	vld [tilespmem:s23+$0xC80];
	[tilespmem:s19+$0x4580] =	vst v2  }
0xcd: {  	v2 =	vld [tilespmem:s23+$0xD00];
	[tilespmem:s19+$0x4600] =	vst v1  }
0xce: {  	v1 =	vld [tilespmem:s23+$0xD80];
	[tilespmem:s19+$0x4680] =	vst v4  }
0xcf: {  	s20 =	sor.u32 s21, s20;
	v4 =	vld [tilespmem:s23+$0xE00];
	[tilespmem:s19+$0x4700] =	vst v5  }
0xd0: {  	s20 =	sor.u32 $0x380, s20;
	v5 =	vld [tilespmem:s23+$0xE80];
	[tilespmem:s19+$0x4780] =	vst v0  }
0xd1: {  	v0 =	vld [tilespmem:s20+$0xC00];
	[tilespmem:s23+$0x1400] =	vst v6  }
0xd2: {  	[tilespmem:s23+$0x1480] =	vst v3  }
0xd3: {  	[tilespmem:s23+$0x1C00] =	vst v6  }
0xd4: {  	[tilespmem:s23+$0x1C80] =	vst v3  }
0xd5: {  	[tilespmem:s23+$0x2400] =	vst v6  }
0xd6: {  	[tilespmem:s23+$0x2480] =	vst v3  }
0xd7: {  	[tilespmem:s23+$0x2C00] =	vst v6  }
0xd8: {  	[tilespmem:s23+$0x2C80] =	vst v3  }
0xd9: {  	[tilespmem:s23+$0x3400] =	vst v6  }
0xda: {  	[tilespmem:s23+$0x3480] =	vst v3  }
0xdb: {  	[tilespmem:s23+$0x3C00] =	vst v6  }
0xdc: {  	[tilespmem:s23+$0x3C80] =	vst v3  }
0xdd: {  	[tilespmem:s23+$0x4400] =	vst v6  }
0xde: {  	[tilespmem:s23+$0x4480] =	vst v3  }
0xdf: {  	[tilespmem:s23+$0x1500] =	vst v2  }
0xe0: {  	[tilespmem:s23+$0x1D00] =	vst v2  }
0xe1: {  	[tilespmem:s23+$0x2500] =	vst v2  }
0xe2: {  	[tilespmem:s23+$0x2D00] =	vst v2  }
0xe3: {  	[tilespmem:s23+$0x3500] =	vst v2  }
0xe4: {  	[tilespmem:s23+$0x3D00] =	vst v2  }
0xe5: {  	[tilespmem:s23+$0x4500] =	vst v2  }
0xe6: {  	[tilespmem:s23+$0x1580] =	vst v1  }
0xe7: {  	[tilespmem:s23+$0x1D80] =	vst v1  }
0xe8: {  	[tilespmem:s23+$0x2580] =	vst v1  }
0xe9: {  	[tilespmem:s23+$0x2D80] =	vst v1  }
0xea: {  	[tilespmem:s23+$0x3580] =	vst v1  }
0xeb: {  	[tilespmem:s23+$0x3D80] =	vst v1  }
0xec: {  	[tilespmem:s23+$0x4580] =	vst v1  }
0xed: {  	[tilespmem:s23+$0x1600] =	vst v4  }
0xee: {  	[tilespmem:s23+$0x1E00] =	vst v4  }
0xef: {  	[tilespmem:s23+$0x2600] =	vst v4  }
0xf0: {  	[tilespmem:s23+$0x2E00] =	vst v4  }
0xf1: {  	[tilespmem:s23+$0x3600] =	vst v4  }
0xf2: {  	[tilespmem:s23+$0x3E00] =	vst v4  }
0xf3: {  	[tilespmem:s23+$0x4600] =	vst v4  }
0xf4: {  	[tilespmem:s23+$0x1680] =	vst v5  }
0xf5: {  	[tilespmem:s23+$0x1E80] =	vst v5  }
0xf6: {  	v7 =	vld [tilespmem:s23+$0xF00];
	[tilespmem:s23+$0x2680] =	vst v5  }
0xf7: {  	[tilespmem:s23+$0x2E80] =	vst v5  }
0xf8: {  	[tilespmem:s23+$0x3680] =	vst v5  }
0xf9: {  	[tilespmem:s23+$0x3E80] =	vst v5  }
0xfa: {  	[tilespmem:s23+$0x4680] =	vst v5  }
0xfb: {  	[tilespmem:s23+$0x1700] =	vst v7  }
0xfc: {  	[tilespmem:s23+$0x1780] =	vst v0  }
0xfd: {  	[tilespmem:s23+$0x1F00] =	vst v7  }
0xfe: {  	[tilespmem:s23+$0x1F80] =	vst v0  }
0xff: {  	[tilespmem:s23+$0x2700] =	vst v7  }
0x100: {  	[tilespmem:s23+$0x2780] =	vst v0  }
0x101: {  	[tilespmem:s23+$0x2F00] =	vst v7  }
0x102: {  	[tilespmem:s23+$0x2F80] =	vst v0  }
0x103: {  	[tilespmem:s23+$0x3700] =	vst v7  }
0x104: {  	[tilespmem:s23+$0x3780] =	vst v0  }
0x105: {  	[tilespmem:s23+$0x3F00] =	vst v7  }
0x106: {  	[tilespmem:s23+$0x3F80] =	vst v0  }
0x107: {  	[tilespmem:s23+$0x4700] =	vst v7  }
0x108: {  	[tilespmem:s23+$0x4780] =	vst v0  }
0x109: {  	[hbm4b:s5+s4] =	stream.linear.scatter [tilespmem:s16], [sflag:$0x1], $0x4000, $0x38;
	[tilespmem:$0x4C00] =	vst v63  }
0x10a: {  	_ = 	snop  }
0x10b: {  	[hbm4b:s6+s4] =	stream.linear.scatter [tilespmem:s16], [sflag:$0x1], $0x4000, $0x38;
	[tilespmem:$0x4C00] =	vst v63  }
0x10c: {  	_ = 	snop  }
0x10d: {  	[hbm4b:s7+s4] =	stream.linear.scatter [tilespmem:s16], [sflag:$0x1], $0x4000, $0x38;
	[tilespmem:$0x4C00] =	vst v63  }
0x10e: {  	_ = 	snop  }
0x10f: {  	[hbm4b:s8+s4] =	stream.linear.scatter [tilespmem:s16], [sflag:$0x1], $0x4000, $0x38;
	[tilespmem:$0x4C00] =	vst v63  }
0x110: {  	_ = 	snop  }
0x111: {  	[hbm4b:s9+s4] =	stream.linear.scatter [tilespmem:s16], [sflag:$0x1], $0x4000, $0x38;
	[tilespmem:$0x4C00] =	vst v63  }
0x112: {  	_ = 	snop  }
0x113: {  	[hbm4b:s10+s4] =	stream.linear.scatter [tilespmem:s16], [sflag:$0x1], $0x4000, $0x38;
	[tilespmem:$0x4C00] =	vst v63  }
0x114: {  	_ = 	snop  }
0x115: {  	[hbm4b:s11+s4] =	stream.linear.scatter [tilespmem:s16], [sflag:$0x1], $0x4000, $0x38;
	[tilespmem:$0x4C00] =	vst v63  }
0x116: {  	_ = 	snop  }
0x117: {  	[hbm4b:s12+s4] =	stream.linear.scatter [tilespmem:s16], [sflag:$0x1], $0x4000, $0x38;
	[tilespmem:$0x4C00] =	vst v63  }
0x118: {  	_ =	swait.ge [sflag:s17], $0x4000  }
0x119: {  	[sflag:s17] =	ssyncset.done $0x0  }
0x11a: {  	[sflag:s17] =	ssyncadd.s32 $0xFFFFC000  }
0x11b: {  	_ =	swait.ge [sflag:s17], $0x4000  }
0x11c: {  	[sflag:s17] =	ssyncset.done $0x0  }
0x11d: {  	[sflag:s17] =	ssyncadd.s32 $0xFFFFC000  }
0x11e: {  	_ =	swait.ge [sflag:s17], $0x4000  }
0x11f: {  	[sflag:s17] =	ssyncset.done $0x0  }
0x120: {  	[sflag:s17] =	ssyncadd.s32 $0xFFFFC000  }
0x121: {  	_ =	swait.ge [sflag:s17], $0x4000  }
0x122: {  	[sflag:s17] =	ssyncset.done $0x0  }
0x123: {  	[sflag:s17] =	ssyncadd.s32 $0xFFFFC000  }
0x124: {  	_ =	swait.ge [sflag:s17], $0x4000  }
0x125: {  	[sflag:s17] =	ssyncset.done $0x0  }
0x126: {  	[sflag:s17] =	ssyncadd.s32 $0xFFFFC000  }
0x127: {  	_ =	swait.ge [sflag:s17], $0x4000  }
0x128: {  	[sflag:s17] =	ssyncset.done $0x0  }
0x129: {  	s18 =	sadd.s32 $0x1, s18;
	[sflag:s17] =	ssyncadd.s32 $0xFFFFC000  }
0x12a: {  	p0 =	sne.s32 s18, s13;
	_ =	swait.ge [sflag:s17], $0x4000  }
.Ltmp2:
0x12b: {  	[sflag:s17] =	ssyncset.done $0x0;
	(pc) =	sbr.rel @p0 .LBB2_1-.Ltmp2, $4  }
0x12c: {  	[sflag:s17] =	ssyncadd.s32 $0xFFFFC000  }
0x12d: {  	_ =	swait.ge [sflag:s17], $0x4000  }
0x12e: {  	[sflag:s17] =	ssyncset.done $0x0  }
0x12f: {  	[sflag:s17] =	ssyncadd.s32 $0xFFFFC000  }
0x130: {  	_ =	sfence.sel $0x180000  }
0x131: {  	[bflag:$0x0] =	sbarrier.arrive $0xFFFF  }
0x132: {  	p0 =	sne.s32 s1, $0x0;
	_ =	strace $0x90000047  }
0x133: {  	s0 =	sadd.s32 @!p0 $0x100000, s0;
	[bflag:$0x2] =	sbarrier.arrive $0xFFFF  }
0x134: {  	[sflag:s0] =	ssyncadd.tile.s32 @!p0 $0x1;
	_ =	shalt  }
.Lfunc_end2:
_tile_overlayer_lowered:
.L_overlay_start_2:
0x135: {  	(tag) =	ssettag $0x2  }
0x136: {  	s0 =	rddreg [dreg:$0x0];
	s2 =	stileid.u32  }
0x137: {  	s1 =	rddreg [dreg:$0x1];
	p0 =	sne.s32 s2, $0x0  }
0x138: {  	s3 =	rddreg [dreg:$0x2];
	[bflag:$0x3] =	sbarrier.arrive $0xFFFF;
	s2 =	simm.s32 @!p0 $0x1C03  }
0x139: {  	[timem:s3], [sflag:s2] =	dma.local @!p0 [hbm:s0], s1  }
0x13a: {  	s0 =	simm.s32 @!p0 $0x3  }
0x13b: {  	_ =	swait.ge @!p0 [sflag:s0], s1  }
0x13c: {  	s1 =	ssub.s32 @!p0 $0x0, s1;
	[sflag:s0] =	ssyncset.done @!p0 $0x0  }
0x13d: {  	[sflag:s0] =	ssyncadd.s32 @!p0 s1  }
0x13e: {  	[bflag:$0x3] =	sbarrier.arrive $0xFFFF  }
0x13f: {  	_ =	shalt  }

</sc_bundles>
